<compile_context>
chip_gen: v7x
topology: tpu7x:2x2x1
jax: 0.10.2.dev20260603
libtpu: 0.0.44.dev20260713+nightly
codegen_flags: <defaults>
</compile_context>

<pallas_src>
import dataclasses
import functools

import jax
import jax.numpy as jnp
from jax import lax
from jax.experimental import pallas as pl
from jax.experimental.pallas import tpu as pltpu
from jax.experimental.pallas import tpu_sc as plsc

_ROWS = 1_000_000
_D = 32
_NW = 32
_CHUNK = 1008
_NCHUNK = 31
_WROWS = _CHUNK * _NCHUNK
_TAIL = _ROWS - _NW * _WROWS
_GROUPS = _CHUNK // 16


def _scan_sc(q_hbm, x_hbm, outv_hbm, outi_hbm, qv, xbuf, stgv, stgi, sems, qsem):
    w = lax.axis_index("s") * 2 + lax.axis_index("c")
    row0 = w * _WROWS

    pltpu.async_copy(q_hbm.at[0], qv, qsem).wait()
    q1 = qv[pl.ds(0, 16)]
    q2 = qv[pl.ds(16, 16)]

    pltpu.make_async_copy(
        x_hbm.at[pl.ds(row0, _CHUNK)], xbuf.at[0], sems.at[0]).start()

    def row_sum(sel, r):
        v1 = xbuf[sel, r, pl.ds(0, 16)]
        v2 = xbuf[sel, r, pl.ds(16, 16)]
        t1 = v1 - q1
        t2 = v2 - q2
        return jnp.sum(t1 * t1 + t2 * t2)

    def chunk_body(c, carry):
        best, besti = carry
        sel = lax.rem(c, 2)
        nxt = lax.rem(c + 1, 2)

        @pl.when(c + 1 < _NCHUNK)
        def _():
            pltpu.make_async_copy(
                x_hbm.at[pl.ds(row0 + (c + 1) * _CHUNK, _CHUNK)],
                xbuf.at[nxt], sems.at[nxt]).start()

        pltpu.make_async_copy(
            x_hbm.at[pl.ds(row0 + c * _CHUNK, _CHUNK)],
            xbuf.at[sel], sems.at[sel]).wait()

        base = row0 + c * _CHUNK

        def group_body(g, carry2):
            best2, besti2 = carry2
            for j in range(16):
                r = g * 16 + j
                s = row_sum(sel, r)
                cond = s < best2
                besti2 = jnp.where(cond, base + r, besti2)
                best2 = jnp.where(cond, s, best2)
            return best2, besti2

        return lax.fori_loop(0, _GROUPS, group_body, (best, besti))

    best, besti = lax.fori_loop(
        0, _NCHUNK, chunk_body, (jnp.float32(jnp.inf), jnp.int32(0)))

    @pl.when(w == _NW - 1)
    def _():
        tbase = _NW * _WROWS
        tcp = pltpu.make_async_copy(
            x_hbm.at[pl.ds(tbase, _TAIL)], xbuf.at[0, pl.ds(0, _TAIL)],
            sems.at[0])
        tcp.start()
        tcp.wait()

    def tail_scan(carry):
        best3, besti3 = carry

        def tgroup(g, carry4):
            best4, besti4 = carry4
            for j in range(16):
                r = g * 16 + j
                s = row_sum(0, r)
                cond = s < best4
                besti4 = jnp.where(cond, _NW * _WROWS + r, besti4)
                best4 = jnp.where(cond, s, best4)
            return best4, besti4

        return lax.fori_loop(0, _TAIL // 16, tgroup, (best3, besti3))

    best, besti = lax.cond(w == _NW - 1, tail_scan, lambda c: c, (best, besti))

    stgv[...] = jnp.full((16,), best, jnp.float32)
    stgi[...] = jnp.full((16,), besti, jnp.int32)
    pltpu.async_copy(stgv, outv_hbm.at[w], sems.at[0]).wait()
    pltpu.async_copy(stgi, outi_hbm.at[w], sems.at[0]).wait()


def _merge_tc(outv_ref, outi_ref, tt_ref, out_ref, sem):
    v = outv_ref[:, 0:1]
    mi = outi_ref[:, 0:1]
    m = jnp.min(v)
    best = jnp.min(jnp.where(v == m, mi, jnp.int32(2**30)))
    cp = pltpu.make_async_copy(tt_ref.at[pl.ds(best, 1)], out_ref, sem)
    cp.start()
    cp.wait()


@jax.jit
def kernel(in_vel, train_obs_vel, train_target_vel):
    mesh = plsc.VectorSubcoreMesh(core_axis_name="c", subcore_axis_name="s")

    cp = pltpu.CompilerParams(
        needs_layout_passes=False, use_tc_tiling_on_sc=False)

    scan = functools.partial(
        pl.kernel,
        mesh=mesh,
        compiler_params=cp,
        out_type=[
            jax.ShapeDtypeStruct((_NW, 16), jnp.float32),
            jax.ShapeDtypeStruct((_NW, 16), jnp.int32),
        ],
        scratch_types=[
            pltpu.VMEM((32,), jnp.float32),
            pltpu.VMEM((2, _CHUNK, _D), jnp.float32),
            pltpu.VMEM((16,), jnp.float32),
            pltpu.VMEM((16,), jnp.int32),
            pltpu.SemaphoreType.DMA((2,)),
            pltpu.SemaphoreType.DMA,
        ],
    )(_scan_sc)

    outv, outi = scan(in_vel, train_obs_vel)

    out = pl.pallas_call(
        _merge_tc,
        in_specs=[
            pl.BlockSpec((_NW, 16), lambda: (0, 0)),
            pl.BlockSpec((_NW, 16), lambda: (0, 0)),
            pl.BlockSpec(memory_space=pl.MemorySpace.ANY),
        ],
        out_specs=pl.BlockSpec((1, _D), lambda: (0, 0)),
        out_shape=jax.ShapeDtypeStruct((1, _D), jnp.float32),
        scratch_shapes=[pltpu.SemaphoreType.DMA],
    )(outv, outi, train_target_vel)
    return out[0]

# --- scband reference (transcript-rebuilt; emitter-appended) ---
"""Pipeline reference for scband-nearest-neighbor-26242250179143 (READ-ONLY COPY).

The authoritative reference and input builder live on the scoring server;
editing this copy changes nothing except your own understanding.
"""

import jax, jax.numpy as jnp
import numpy as np


def setup_inputs(seed: int = 0) -> dict:
    key = jax.random.key(seed)
    k1, k2, k3 = jax.random.split(key, 3)
    in_vel = jax.random.normal(k1, (1, 32), dtype=jnp.float32)
    train_obs_vel = jax.random.normal(k2, (1000000, 32), dtype=jnp.float32)
    train_target_vel = jax.random.normal(k3, (1000000, 32), dtype=jnp.float32)
    return {"in_vel": in_vel, "train_obs_vel": train_obs_vel, "train_target_vel": train_target_vel}


def reference(in_vel, train_obs_vel, train_target_vel):
    # MSE distance between the query velocity and every stored obs velocity
    # (faithful to looping over the dataloader and keeping the argmin entry).
    diff = train_obs_vel - in_vel  # [K, D] via broadcast of [1, D]
    dis = jnp.mean(diff * diff, axis=1)  # [K]
    best_index = jnp.argmin(dis)
    # Nearest-neighbor retrieval: return the target velocity of the best match.
    out = jnp.take(train_target_vel, best_index, axis=0)  # [D]
    return out

if __name__ == "__main__":
    import jax
    _d = setup_inputs()
    print(jax.jit(kernel)(*tuple(_d.values())))

</pallas_src>

<mosaic_0001>
#map = affine_map<(d0, d1) -> (0, 0)>
module attributes {stable_mosaic.version = 14 : i64} {
  func.func @_scan_sc(%arg0: i32, %arg1: i32, %arg2: memref<1x32xf32, #tpu.memory_space<hbm>>, %arg3: memref<1000000x32xf32, #tpu.memory_space<hbm>>, %arg4: memref<32x16xf32, #tpu.memory_space<hbm>>, %arg5: memref<32x16xi32, #tpu.memory_space<hbm>>, %arg6: memref<32xf32, #tpu.memory_space<vmem>>, %arg7: memref<2x1008x32xf32, #tpu.memory_space<vmem>>, %arg8: memref<16xf32, #tpu.memory_space<vmem>>, %arg9: memref<16xi32, #tpu.memory_space<vmem>>, %arg10: memref<2x!tpu.dma_semaphore, #tpu.memory_space<semaphore_mem>>, %arg11: memref<!tpu.dma_semaphore, #tpu.memory_space<semaphore_mem>>) attributes {dimension_semantics = [#tpu.dimension_semantics<core_parallel>, #tpu.dimension_semantics<subcore_parallel>], iteration_bounds = array<i64: 2, 16>, scalar_prefetch = 0 : i64, scratch_operands = 6 : i64, tpu.core_type = #tpu.core_type<sc_vector_subcore>, window_params = [{transform_indices = #map}, {transform_indices = #map}, {transform_indices = #map}, {transform_indices = #map}]} {
    %mul3A = arith.constant 2 : i32
    %mul3A_0 = arith.muli %arg1, %mul3A : i32
    %add3A = arith.addi %mul3A_0, %arg0 : i32
    %mul3A_1 = arith.constant 31248 : i32
    %mul3A_2 = arith.muli %add3A, %mul3A_1 : i32
    %dma_start3A = arith.constant 0 : i32
    %dma_start3A_3 = arith.constant 0 : i32
    %dma_start3A_4 = tpu.memref_slice %arg2[%dma_start3A, %dma_start3A_3] : memref<1x32xf32, #tpu.memory_space<hbm>> -> memref<1x32xf32, #tpu.memory_space<hbm>>
    %dma_start3A_5 = tpu.memref_squeeze %dma_start3A_4 : memref<1x32xf32, #tpu.memory_space<hbm>> -> memref<32xf32, #tpu.memory_space<hbm>>
    %dma_start3A_6 = arith.constant 0 : i32
    %dma_start3A_7 = tpu.memref_slice %arg2[%dma_start3A, %dma_start3A_6] : memref<1x32xf32, #tpu.memory_space<hbm>> -> memref<1x32xf32, #tpu.memory_space<hbm>>
    %dma_start3A_8 = tpu.memref_squeeze %dma_start3A_7 : memref<1x32xf32, #tpu.memory_space<hbm>> -> memref<32xf32, #tpu.memory_space<hbm>>
    tpu.enqueue_dma source(%dma_start3A_8 : memref<32xf32, #tpu.memory_space<hbm>>) target(%arg6 : memref<32xf32, #tpu.memory_space<vmem>>) target_semaphore(%arg11 : memref<!tpu.dma_semaphore, #tpu.memory_space<semaphore_mem>>)
    %dma_wait3A = arith.constant 0 : i32
    %dma_wait3A_9 = arith.constant 0 : i32
    %dma_wait3A_10 = tpu.memref_slice %arg2[%dma_wait3A, %dma_wait3A_9] : memref<1x32xf32, #tpu.memory_space<hbm>> -> memref<1x32xf32, #tpu.memory_space<hbm>>
    %dma_wait3A_11 = tpu.memref_squeeze %dma_wait3A_10 : memref<1x32xf32, #tpu.memory_space<hbm>> -> memref<32xf32, #tpu.memory_space<hbm>>
    %dma_wait3A_12 = arith.constant 0 : i32
    %dma_wait3A_13 = tpu.memref_slice %arg2[%dma_wait3A, %dma_wait3A_12] : memref<1x32xf32, #tpu.memory_space<hbm>> -> memref<1x32xf32, #tpu.memory_space<hbm>>
    %dma_wait3A_14 = tpu.memref_squeeze %dma_wait3A_13 : memref<1x32xf32, #tpu.memory_space<hbm>> -> memref<32xf32, #tpu.memory_space<hbm>>
    tpu.wait_dma2 semaphore(%arg11 : memref<!tpu.dma_semaphore, #tpu.memory_space<semaphore_mem>>) src(%dma_wait3A_14 : memref<32xf32, #tpu.memory_space<hbm>>) dst(%arg6 : memref<32xf32, #tpu.memory_space<vmem>>)
    %get3A = arith.constant 0 : index
    %get3A_15 = tpu.vector_load %arg6[%get3A] {strides = array<i32>} : memref<32xf32, #tpu.memory_space<vmem>>, vector<16xf32>,
    %get3A_16 = arith.constant 16 : index
    %get3A_17 = tpu.vector_load %arg6[%get3A_16] {strides = array<i32>} : memref<32xf32, #tpu.memory_space<vmem>>, vector<16xf32>,
    %dma_start3A_18 = arith.constant 0 : i32
    %dma_start3A_19 = arith.constant 0 : i32
    %dma_start3A_20 = arith.constant 0 : i32
    %dma_start3A_21 = arith.constant 0 : i32
    %dma_start3A_22 = tpu.memref_slice %arg7[%dma_start3A_18, %dma_start3A_20, %dma_start3A_21] : memref<2x1008x32xf32, #tpu.memory_space<vmem>> -> memref<1x1008x32xf32, #tpu.memory_space<vmem>>
    %dma_start3A_23 = tpu.memref_squeeze %dma_start3A_22 : memref<1x1008x32xf32, #tpu.memory_space<vmem>> -> memref<1008x32xf32, #tpu.memory_space<vmem>>
    %dma_start3A_24 = arith.constant 0 : i32
    %dma_start3A_25 = tpu.memref_slice %arg3[%mul3A_2, %dma_start3A_24] : memref<1000000x32xf32, #tpu.memory_space<hbm>> -> memref<1008x32xf32, #tpu.memory_space<hbm>>
    %dma_start3A_26 = tpu.memref_slice %arg10[%dma_start3A_19] : memref<2x!tpu.dma_semaphore, #tpu.memory_space<semaphore_mem>> -> memref<1x!tpu.dma_semaphore, #tpu.memory_space<semaphore_mem>>
    %dma_start3A_27 = tpu.memref_squeeze %dma_start3A_26 : memref<1x!tpu.dma_semaphore, #tpu.memory_space<semaphore_mem>> -> memref<!tpu.dma_semaphore, #tpu.memory_space<semaphore_mem>>
    %dma_start3A_28 = arith.constant 0 : i32
    %dma_start3A_29 = arith.constant 0 : i32
    %dma_start3A_30 = tpu.memref_slice %arg7[%dma_start3A_18, %dma_start3A_28, %dma_start3A_29] : memref<2x1008x32xf32, #tpu.memory_space<vmem>> -> memref<1x1008x32xf32, #tpu.memory_space<vmem>>
    %dma_start3A_31 = tpu.memref_squeeze %dma_start3A_30 : memref<1x1008x32xf32, #tpu.memory_space<vmem>> -> memref<1008x32xf32, #tpu.memory_space<vmem>>
    %dma_start3A_32 = arith.constant 0 : i32
    %dma_start3A_33 = tpu.memref_slice %arg3[%mul3A_2, %dma_start3A_32] : memref<1000000x32xf32, #tpu.memory_space<hbm>> -> memref<1008x32xf32, #tpu.memory_space<hbm>>
    tpu.enqueue_dma source(%dma_start3A_33 : memref<1008x32xf32, #tpu.memory_space<hbm>>) target(%dma_start3A_31 : memref<1008x32xf32, #tpu.memory_space<vmem>>) target_semaphore(%dma_start3A_27 : memref<!tpu.dma_semaphore, #tpu.memory_space<semaphore_mem>>)
    %scan3A = arith.constant 0x7F800000 : f32
    %scan3A_34 = arith.constant 0 : i32
    %scan3A_35 = arith.constant 0 : i32
    %scan3A_36 = arith.constant 31 : i32
    %scan3A_37 = arith.addi %scan3A_35, %scan3A_36 : i32
    %scan3A_38 = arith.constant 1 : i32
    %scan3A_39:2 = scf.for %scan3A_89 = %scan3A_35 to %scan3A_37 step %scan3A_38 iter_args(%scan3A_90 = %scan3A, %scan3A_91 = %scan3A_34) -> (f32, i32)  : i32 {
      %rem3A = arith.constant 2 : i32
      %rem3A_92 = arith.remsi %scan3A_89, %rem3A : i32
      %add3A_93 = arith.constant 1 : i32
      %add3A_94 = arith.addi %scan3A_89, %add3A_93 : i32
      %rem3A_95 = arith.constant 2 : i32
      %rem3A_96 = arith.remsi %add3A_94, %rem3A_95 : i32
      %add3A_97 = arith.constant 1 : i32
      %add3A_98 = arith.addi %scan3A_89, %add3A_97 : i32
      %lt3A = arith.constant 31 : i32
      %lt3A_99 = arith.cmpi slt, %add3A_98, %lt3A : i32
      %convert_element_type3A_100 = arith.extui %lt3A_99 : i1 to i32
      %cond3A_101 = arith.constant 0 : i32
      %cond3A_102 = arith.cmpi ne, %convert_element_type3A_100, %cond3A_101 : i32
      scf.if %cond3A_102 {
        %add3A_129 = arith.constant 1 : i32
        %add3A_130 = arith.addi %scan3A_89, %add3A_129 : i32
        %mul3A_131 = arith.constant 1008 : i32
        %mul3A_132 = arith.muli %add3A_130, %mul3A_131 : i32
        %add3A_133 = arith.addi %mul3A_2, %mul3A_132 : i32
        %dma_start3A_134 = arith.constant 0 : i32
        %dma_start3A_135 = arith.constant 0 : i32
        %dma_start3A_136 = tpu.memref_slice %arg7[%rem3A_96, %dma_start3A_134, %dma_start3A_135] : memref<2x1008x32xf32, #tpu.memory_space<vmem>> -> memref<1x1008x32xf32, #tpu.memory_space<vmem>>
        %dma_start3A_137 = tpu.memref_squeeze %dma_start3A_136 : memref<1x1008x32xf32, #tpu.memory_space<vmem>> -> memref<1008x32xf32, #tpu.memory_space<vmem>>
        %dma_start3A_138 = arith.constant 0 : i32
        %dma_start3A_139 = tpu.memref_slice %arg3[%add3A_133, %dma_start3A_138] : memref<1000000x32xf32, #tpu.memory_space<hbm>> -> memref<1008x32xf32, #tpu.memory_space<hbm>>
        %dma_start3A_140 = tpu.memref_slice %arg10[%rem3A_96] : memref<2x!tpu.dma_semaphore, #tpu.memory_space<semaphore_mem>> -> memref<1x!tpu.dma_semaphore, #tpu.memory_space<semaphore_mem>>
        %dma_start3A_141 = tpu.memref_squeeze %dma_start3A_140 : memref<1x!tpu.dma_semaphore, #tpu.memory_space<semaphore_mem>> -> memref<!tpu.dma_semaphore, #tpu.memory_space<semaphore_mem>>
        %dma_start3A_142 = arith.constant 0 : i32
        %dma_start3A_143 = arith.constant 0 : i32
        %dma_start3A_144 = tpu.memref_slice %arg7[%rem3A_96, %dma_start3A_142, %dma_start3A_143] : memref<2x1008x32xf32, #tpu.memory_space<vmem>> -> memref<1x1008x32xf32, #tpu.memory_space<vmem>>
        %dma_start3A_145 = tpu.memref_squeeze %dma_start3A_144 : memref<1x1008x32xf32, #tpu.memory_space<vmem>> -> memref<1008x32xf32, #tpu.memory_space<vmem>>
        %dma_start3A_146 = arith.constant 0 : i32
        %dma_start3A_147 = tpu.memref_slice %arg3[%add3A_133, %dma_start3A_146] : memref<1000000x32xf32, #tpu.memory_space<hbm>> -> memref<1008x32xf32, #tpu.memory_space<hbm>>
        tpu.enqueue_dma source(%dma_start3A_147 : memref<1008x32xf32, #tpu.memory_space<hbm>>) target(%dma_start3A_145 : memref<1008x32xf32, #tpu.memory_space<vmem>>) target_semaphore(%dma_start3A_141 : memref<!tpu.dma_semaphore, #tpu.memory_space<semaphore_mem>>)
      } else {
      }
      %mul3A_103 = arith.constant 1008 : i32
      %mul3A_104 = arith.muli %scan3A_89, %mul3A_103 : i32
      %add3A_105 = arith.addi %mul3A_2, %mul3A_104 : i32
      %dma_wait3A_106 = arith.constant 0 : i32
      %dma_wait3A_107 = arith.constant 0 : i32
      %dma_wait3A_108 = tpu.memref_slice %arg7[%rem3A_92, %dma_wait3A_106, %dma_wait3A_107] : memref<2x1008x32xf32, #tpu.memory_space<vmem>> -> memref<1x1008x32xf32, #tpu.memory_space<vmem>>
      %dma_wait3A_109 = tpu.memref_squeeze %dma_wait3A_108 : memref<1x1008x32xf32, #tpu.memory_space<vmem>> -> memref<1008x32xf32, #tpu.memory_space<vmem>>
      %dma_wait3A_110 = arith.constant 0 : i32
      %dma_wait3A_111 = tpu.memref_slice %arg3[%add3A_105, %dma_wait3A_110] : memref<1000000x32xf32, #tpu.memory_space<hbm>> -> memref<1008x32xf32, #tpu.memory_space<hbm>>
      %dma_wait3A_112 = tpu.memref_slice %arg10[%rem3A_92] : memref<2x!tpu.dma_semaphore, #tpu.memory_space<semaphore_mem>> -> memref<1x!tpu.dma_semaphore, #tpu.memory_space<semaphore_mem>>
      %dma_wait3A_113 = tpu.memref_squeeze %dma_wait3A_112 : memref<1x!tpu.dma_semaphore, #tpu.memory_space<semaphore_mem>> -> memref<!tpu.dma_semaphore, #tpu.memory_space<semaphore_mem>>
      %dma_wait3A_114 = arith.constant 0 : i32
      %dma_wait3A_115 = arith.constant 0 : i32
      %dma_wait3A_116 = tpu.memref_slice %arg7[%rem3A_92, %dma_wait3A_114, %dma_wait3A_115] : memref<2x1008x32xf32, #tpu.memory_space<vmem>> -> memref<1x1008x32xf32, #tpu.memory_space<vmem>>
      %dma_wait3A_117 = tpu.memref_squeeze %dma_wait3A_116 : memref<1x1008x32xf32, #tpu.memory_space<vmem>> -> memref<1008x32xf32, #tpu.memory_space<vmem>>
      %dma_wait3A_118 = arith.constant 0 : i32
      %dma_wait3A_119 = tpu.memref_slice %arg3[%add3A_105, %dma_wait3A_118] : memref<1000000x32xf32, #tpu.memory_space<hbm>> -> memref<1008x32xf32, #tpu.memory_space<hbm>>
      tpu.wait_dma2 semaphore(%dma_wait3A_113 : memref<!tpu.dma_semaphore, #tpu.memory_space<semaphore_mem>>) src(%dma_wait3A_119 : memref<1008x32xf32, #tpu.memory_space<hbm>>) dst(%dma_wait3A_117 : memref<1008x32xf32, #tpu.memory_space<vmem>>)
      %mul3A_120 = arith.constant 1008 : i32
      %mul3A_121 = arith.muli %scan3A_89, %mul3A_120 : i32
      %add3A_122 = arith.addi %mul3A_2, %mul3A_121 : i32
      %scan3A_123 = arith.constant 0 : i32
      %scan3A_124 = arith.constant 63 : i32
      %scan3A_125 = arith.addi %scan3A_123, %scan3A_124 : i32
      %scan3A_126 = arith.constant 1 : i32
      %scan3A_127:2 = scf.for %scan3A_129 = %scan3A_123 to %scan3A_125 step %scan3A_126 iter_args(%scan3A_130 = %scan3A_90, %scan3A_131 = %scan3A_91) -> (f32, i32)  : i32 {
        %mul3A_132 = arith.constant 16 : i32
        %mul3A_133 = arith.muli %scan3A_129, %mul3A_132 : i32
        %add3A_134 = arith.constant 0 : i32
        %add3A_135 = arith.addi %mul3A_133, %add3A_134 : i32
        %get3A_136 = arith.index_cast %rem3A_92 : i32 to index
        %get3A_137 = arith.index_cast %add3A_135 : i32 to index
        %get3A_138 = arith.constant 0 : index
        %get3A_139 = tpu.vector_load %arg7[%get3A_136, %get3A_137, %get3A_138] {strides = array<i32>} : memref<2x1008x32xf32, #tpu.memory_space<vmem>>, vector<16xf32>,
        %get3A_140 = arith.index_cast %rem3A_92 : i32 to index
        %get3A_141 = arith.index_cast %add3A_135 : i32 to index
        %get3A_142 = arith.constant 16 : index
        %get3A_143 = tpu.vector_load %arg7[%get3A_140, %get3A_141, %get3A_142] {strides = array<i32>} : memref<2x1008x32xf32, #tpu.memory_space<vmem>>, vector<16xf32>,
        %sub3A = arith.subf %get3A_139, %get3A_15 : vector<16xf32>
        %sub3A_144 = arith.subf %get3A_143, %get3A_17 : vector<16xf32>
        %mul3A_145 = arith.mulf %sub3A, %sub3A : vector<16xf32>
        %mul3A_146 = arith.mulf %sub3A_144, %sub3A_144 : vector<16xf32>
        %add3A_147 = arith.addf %mul3A_145, %mul3A_146 : vector<16xf32>
        %reduce_sum3A = arith.constant true
        %reduce_sum3A_148 = vector.broadcast %reduce_sum3A : i1 to vector<16xi1>
        %reduce_sum3A_149 = tpu.scan <sum>, %add3A_147 masked %reduce_sum3A_148 : vector<16xf32>, vector<16xi1> -> vector<16xf32>
        %reduce_sum3A_150 = vector.extract %reduce_sum3A_149[15] : f32 from vector<16xf32>
        %lt3A_151 = arith.cmpf olt, %reduce_sum3A_150, %scan3A_130 : f32
        %add3A_152 = arith.addi %add3A_122, %add3A_135 : i32
        %select_n3A = arith.select %lt3A_151, %add3A_152, %scan3A_131 : i32
        %select_n3A_153 = arith.select %lt3A_151, %reduce_sum3A_150, %scan3A_130 : f32
        %mul3A_154 = arith.constant 16 : i32
        %mul3A_155 = arith.muli %scan3A_129, %mul3A_154 : i32
        %add3A_156 = arith.constant 1 : i32
        %add3A_157 = arith.addi %mul3A_155, %add3A_156 : i32
        %get3A_158 = arith.index_cast %rem3A_92 : i32 to index
        %get3A_159 = arith.index_cast %add3A_157 : i32 to index
        %get3A_160 = arith.constant 0 : index
        %get3A_161 = tpu.vector_load %arg7[%get3A_158, %get3A_159, %get3A_160] {strides = array<i32>} : memref<2x1008x32xf32, #tpu.memory_space<vmem>>, vector<16xf32>,
        %get3A_162 = arith.index_cast %rem3A_92 : i32 to index
        %get3A_163 = arith.index_cast %add3A_157 : i32 to index
        %get3A_164 = arith.constant 16 : index
        %get3A_165 = tpu.vector_load %arg7[%get3A_162, %get3A_163, %get3A_164] {strides = array<i32>} : memref<2x1008x32xf32, #tpu.memory_space<vmem>>, vector<16xf32>,
        %sub3A_166 = arith.subf %get3A_161, %get3A_15 : vector<16xf32>
        %sub3A_167 = arith.subf %get3A_165, %get3A_17 : vector<16xf32>
        %mul3A_168 = arith.mulf %sub3A_166, %sub3A_166 : vector<16xf32>
        %mul3A_169 = arith.mulf %sub3A_167, %sub3A_167 : vector<16xf32>
        %add3A_170 = arith.addf %mul3A_168, %mul3A_169 : vector<16xf32>
        %reduce_sum3A_171 = arith.constant true
        %reduce_sum3A_172 = vector.broadcast %reduce_sum3A_171 : i1 to vector<16xi1>
        %reduce_sum3A_173 = tpu.scan <sum>, %add3A_170 masked %reduce_sum3A_172 : vector<16xf32>, vector<16xi1> -> vector<16xf32>
        %reduce_sum3A_174 = vector.extract %reduce_sum3A_173[15] : f32 from vector<16xf32>
        %lt3A_175 = arith.cmpf olt, %reduce_sum3A_174, %select_n3A_153 : f32
        %add3A_176 = arith.addi %add3A_122, %add3A_157 : i32
        %select_n3A_177 = arith.select %lt3A_175, %add3A_176, %select_n3A : i32
        %select_n3A_178 = arith.select %lt3A_175, %reduce_sum3A_174, %select_n3A_153 : f32
        %mul3A_179 = arith.constant 16 : i32
        %mul3A_180 = arith.muli %scan3A_129, %mul3A_179 : i32
        %add3A_181 = arith.constant 2 : i32
        %add3A_182 = arith.addi %mul3A_180, %add3A_181 : i32
        %get3A_183 = arith.index_cast %rem3A_92 : i32 to index
        %get3A_184 = arith.index_cast %add3A_182 : i32 to index
        %get3A_185 = arith.constant 0 : index
        %get3A_186 = tpu.vector_load %arg7[%get3A_183, %get3A_184, %get3A_185] {strides = array<i32>} : memref<2x1008x32xf32, #tpu.memory_space<vmem>>, vector<16xf32>,
        %get3A_187 = arith.index_cast %rem3A_92 : i32 to index
        %get3A_188 = arith.index_cast %add3A_182 : i32 to index
        %get3A_189 = arith.constant 16 : index
        %get3A_190 = tpu.vector_load %arg7[%get3A_187, %get3A_188, %get3A_189] {strides = array<i32>} : memref<2x1008x32xf32, #tpu.memory_space<vmem>>, vector<16xf32>,
        %sub3A_191 = arith.subf %get3A_186, %get3A_15 : vector<16xf32>
        %sub3A_192 = arith.subf %get3A_190, %get3A_17 : vector<16xf32>
        %mul3A_193 = arith.mulf %sub3A_191, %sub3A_191 : vector<16xf32>
        %mul3A_194 = arith.mulf %sub3A_192, %sub3A_192 : vector<16xf32>
        %add3A_195 = arith.addf %mul3A_193, %mul3A_194 : vector<16xf32>
        %reduce_sum3A_196 = arith.constant true
        %reduce_sum3A_197 = vector.broadcast %reduce_sum3A_196 : i1 to vector<16xi1>
        %reduce_sum3A_198 = tpu.scan <sum>, %add3A_195 masked %reduce_sum3A_197 : vector<16xf32>, vector<16xi1> -> vector<16xf32>
        %reduce_sum3A_199 = vector.extract %reduce_sum3A_198[15] : f32 from vector<16xf32>
        %lt3A_200 = arith.cmpf olt, %reduce_sum3A_199, %select_n3A_178 : f32
        %add3A_201 = arith.addi %add3A_122, %add3A_182 : i32
        %select_n3A_202 = arith.select %lt3A_200, %add3A_201, %select_n3A_177 : i32
        %select_n3A_203 = arith.select %lt3A_200, %reduce_sum3A_199, %select_n3A_178 : f32
        %mul3A_204 = arith.constant 16 : i32
        %mul3A_205 = arith.muli %scan3A_129, %mul3A_204 : i32
        %add3A_206 = arith.constant 3 : i32
        %add3A_207 = arith.addi %mul3A_205, %add3A_206 : i32
        %get3A_208 = arith.index_cast %rem3A_92 : i32 to index
        %get3A_209 = arith.index_cast %add3A_207 : i32 to index
        %get3A_210 = arith.constant 0 : index
        %get3A_211 = tpu.vector_load %arg7[%get3A_208, %get3A_209, %get3A_210] {strides = array<i32>} : memref<2x1008x32xf32, #tpu.memory_space<vmem>>, vector<16xf32>,
        %get3A_212 = arith.index_cast %rem3A_92 : i32 to index
        %get3A_213 = arith.index_cast %add3A_207 : i32 to index
        %get3A_214 = arith.constant 16 : index
        %get3A_215 = tpu.vector_load %arg7[%get3A_212, %get3A_213, %get3A_214] {strides = array<i32>} : memref<2x1008x32xf32, #tpu.memory_space<vmem>>, vector<16xf32>,
        %sub3A_216 = arith.subf %get3A_211, %get3A_15 : vector<16xf32>
        %sub3A_217 = arith.subf %get3A_215, %get3A_17 : vector<16xf32>
        %mul3A_218 = arith.mulf %sub3A_216, %sub3A_216 : vector<16xf32>
        %mul3A_219 = arith.mulf %sub3A_217, %sub3A_217 : vector<16xf32>
        %add3A_220 = arith.addf %mul3A_218, %mul3A_219 : vector<16xf32>
        %reduce_sum3A_221 = arith.constant true
        %reduce_sum3A_222 = vector.broadcast %reduce_sum3A_221 : i1 to vector<16xi1>
        %reduce_sum3A_223 = tpu.scan <sum>, %add3A_220 masked %reduce_sum3A_222 : vector<16xf32>, vector<16xi1> -> vector<16xf32>
        %reduce_sum3A_224 = vector.extract %reduce_sum3A_223[15] : f32 from vector<16xf32>
        %lt3A_225 = arith.cmpf olt, %reduce_sum3A_224, %select_n3A_203 : f32
        %add3A_226 = arith.addi %add3A_122, %add3A_207 : i32
        %select_n3A_227 = arith.select %lt3A_225, %add3A_226, %select_n3A_202 : i32
        %select_n3A_228 = arith.select %lt3A_225, %reduce_sum3A_224, %select_n3A_203 : f32
        %mul3A_229 = arith.constant 16 : i32
        %mul3A_230 = arith.muli %scan3A_129, %mul3A_229 : i32
        %add3A_231 = arith.constant 4 : i32
        %add3A_232 = arith.addi %mul3A_230, %add3A_231 : i32
        %get3A_233 = arith.index_cast %rem3A_92 : i32 to index
        %get3A_234 = arith.index_cast %add3A_232 : i32 to index
        %get3A_235 = arith.constant 0 : index
        %get3A_236 = tpu.vector_load %arg7[%get3A_233, %get3A_234, %get3A_235] {strides = array<i32>} : memref<2x1008x32xf32, #tpu.memory_space<vmem>>, vector<16xf32>,
        %get3A_237 = arith.index_cast %rem3A_92 : i32 to index
        %get3A_238 = arith.index_cast %add3A_232 : i32 to index
        %get3A_239 = arith.constant 16 : index
        %get3A_240 = tpu.vector_load %arg7[%get3A_237, %get3A_238, %get3A_239] {strides = array<i32>} : memref<2x1008x32xf32, #tpu.memory_space<vmem>>, vector<16xf32>,
        %sub3A_241 = arith.subf %get3A_236, %get3A_15 : vector<16xf32>
        %sub3A_242 = arith.subf %get3A_240, %get3A_17 : vector<16xf32>
        %mul3A_243 = arith.mulf %sub3A_241, %sub3A_241 : vector<16xf32>
        %mul3A_244 = arith.mulf %sub3A_242, %sub3A_242 : vector<16xf32>
        %add3A_245 = arith.addf %mul3A_243, %mul3A_244 : vector<16xf32>
        %reduce_sum3A_246 = arith.constant true
        %reduce_sum3A_247 = vector.broadcast %reduce_sum3A_246 : i1 to vector<16xi1>
        %reduce_sum3A_248 = tpu.scan <sum>, %add3A_245 masked %reduce_sum3A_247 : vector<16xf32>, vector<16xi1> -> vector<16xf32>
        %reduce_sum3A_249 = vector.extract %reduce_sum3A_248[15] : f32 from vector<16xf32>
        %lt3A_250 = arith.cmpf olt, %reduce_sum3A_249, %select_n3A_228 : f32
        %add3A_251 = arith.addi %add3A_122, %add3A_232 : i32
        %select_n3A_252 = arith.select %lt3A_250, %add3A_251, %select_n3A_227 : i32
        %select_n3A_253 = arith.select %lt3A_250, %reduce_sum3A_249, %select_n3A_228 : f32
        %mul3A_254 = arith.constant 16 : i32
        %mul3A_255 = arith.muli %scan3A_129, %mul3A_254 : i32
        %add3A_256 = arith.constant 5 : i32
        %add3A_257 = arith.addi %mul3A_255, %add3A_256 : i32
        %get3A_258 = arith.index_cast %rem3A_92 : i32 to index
        %get3A_259 = arith.index_cast %add3A_257 : i32 to index
        %get3A_260 = arith.constant 0 : index
        %get3A_261 = tpu.vector_load %arg7[%get3A_258, %get3A_259, %get3A_260] {strides = array<i32>} : memref<2x1008x32xf32, #tpu.memory_space<vmem>>, vector<16xf32>,
        %get3A_262 = arith.index_cast %rem3A_92 : i32 to index
        %get3A_263 = arith.index_cast %add3A_257 : i32 to index
        %get3A_264 = arith.constant 16 : index
        %get3A_265 = tpu.vector_load %arg7[%get3A_262, %get3A_263, %get3A_264] {strides = array<i32>} : memref<2x1008x32xf32, #tpu.memory_space<vmem>>, vector<16xf32>,
        %sub3A_266 = arith.subf %get3A_261, %get3A_15 : vector<16xf32>
        %sub3A_267 = arith.subf %get3A_265, %get3A_17 : vector<16xf32>
        %mul3A_268 = arith.mulf %sub3A_266, %sub3A_266 : vector<16xf32>
        %mul3A_269 = arith.mulf %sub3A_267, %sub3A_267 : vector<16xf32>
        %add3A_270 = arith.addf %mul3A_268, %mul3A_269 : vector<16xf32>
        %reduce_sum3A_271 = arith.constant true
        %reduce_sum3A_272 = vector.broadcast %reduce_sum3A_271 : i1 to vector<16xi1>
        %reduce_sum3A_273 = tpu.scan <sum>, %add3A_270 masked %reduce_sum3A_272 : vector<16xf32>, vector<16xi1> -> vector<16xf32>
        %reduce_sum3A_274 = vector.extract %reduce_sum3A_273[15] : f32 from vector<16xf32>
        %lt3A_275 = arith.cmpf olt, %reduce_sum3A_274, %select_n3A_253 : f32
        %add3A_276 = arith.addi %add3A_122, %add3A_257 : i32
        %select_n3A_277 = arith.select %lt3A_275, %add3A_276, %select_n3A_252 : i32
        %select_n3A_278 = arith.select %lt3A_275, %reduce_sum3A_274, %select_n3A_253 : f32
        %mul3A_279 = arith.constant 16 : i32
        %mul3A_280 = arith.muli %scan3A_129, %mul3A_279 : i32
        %add3A_281 = arith.constant 6 : i32
        %add3A_282 = arith.addi %mul3A_280, %add3A_281 : i32
        %get3A_283 = arith.index_cast %rem3A_92 : i32 to index
        %get3A_284 = arith.index_cast %add3A_282 : i32 to index
        %get3A_285 = arith.constant 0 : index
        %get3A_286 = tpu.vector_load %arg7[%get3A_283, %get3A_284, %get3A_285] {strides = array<i32>} : memref<2x1008x32xf32, #tpu.memory_space<vmem>>, vector<16xf32>,
        %get3A_287 = arith.index_cast %rem3A_92 : i32 to index
        %get3A_288 = arith.index_cast %add3A_282 : i32 to index
        %get3A_289 = arith.constant 16 : index
        %get3A_290 = tpu.vector_load %arg7[%get3A_287, %get3A_288, %get3A_289] {strides = array<i32>} : memref<2x1008x32xf32, #tpu.memory_space<vmem>>, vector<16xf32>,
        %sub3A_291 = arith.subf %get3A_286, %get3A_15 : vector<16xf32>
        %sub3A_292 = arith.subf %get3A_290, %get3A_17 : vector<16xf32>
        %mul3A_293 = arith.mulf %sub3A_291, %sub3A_291 : vector<16xf32>
        %mul3A_294 = arith.mulf %sub3A_292, %sub3A_292 : vector<16xf32>
        %add3A_295 = arith.addf %mul3A_293, %mul3A_294 : vector<16xf32>
        %reduce_sum3A_296 = arith.constant true
        %reduce_sum3A_297 = vector.broadcast %reduce_sum3A_296 : i1 to vector<16xi1>
        %reduce_sum3A_298 = tpu.scan <sum>, %add3A_295 masked %reduce_sum3A_297 : vector<16xf32>, vector<16xi1> -> vector<16xf32>
        %reduce_sum3A_299 = vector.extract %reduce_sum3A_298[15] : f32 from vector<16xf32>
        %lt3A_300 = arith.cmpf olt, %reduce_sum3A_299, %select_n3A_278 : f32
        %add3A_301 = arith.addi %add3A_122, %add3A_282 : i32
        %select_n3A_302 = arith.select %lt3A_300, %add3A_301, %select_n3A_277 : i32
        %select_n3A_303 = arith.select %lt3A_300, %reduce_sum3A_299, %select_n3A_278 : f32
        %mul3A_304 = arith.constant 16 : i32
        %mul3A_305 = arith.muli %scan3A_129, %mul3A_304 : i32
        %add3A_306 = arith.constant 7 : i32
        %add3A_307 = arith.addi %mul3A_305, %add3A_306 : i32
        %get3A_308 = arith.index_cast %rem3A_92 : i32 to index
        %get3A_309 = arith.index_cast %add3A_307 : i32 to index
        %get3A_310 = arith.constant 0 : index
        %get3A_311 = tpu.vector_load %arg7[%get3A_308, %get3A_309, %get3A_310] {strides = array<i32>} : memref<2x1008x32xf32, #tpu.memory_space<vmem>>, vector<16xf32>,
        %get3A_312 = arith.index_cast %rem3A_92 : i32 to index
        %get3A_313 = arith.index_cast %add3A_307 : i32 to index
        %get3A_314 = arith.constant 16 : index
        %get3A_315 = tpu.vector_load %arg7[%get3A_312, %get3A_313, %get3A_314] {strides = array<i32>} : memref<2x1008x32xf32, #tpu.memory_space<vmem>>, vector<16xf32>,
        %sub3A_316 = arith.subf %get3A_311, %get3A_15 : vector<16xf32>
        %sub3A_317 = arith.subf %get3A_315, %get3A_17 : vector<16xf32>
        %mul3A_318 = arith.mulf %sub3A_316, %sub3A_316 : vector<16xf32>
        %mul3A_319 = arith.mulf %sub3A_317, %sub3A_317 : vector<16xf32>
        %add3A_320 = arith.addf %mul3A_318, %mul3A_319 : vector<16xf32>
        %reduce_sum3A_321 = arith.constant true
        %reduce_sum3A_322 = vector.broadcast %reduce_sum3A_321 : i1 to vector<16xi1>
        %reduce_sum3A_323 = tpu.scan <sum>, %add3A_320 masked %reduce_sum3A_322 : vector<16xf32>, vector<16xi1> -> vector<16xf32>
        %reduce_sum3A_324 = vector.extract %reduce_sum3A_323[15] : f32 from vector<16xf32>
        %lt3A_325 = arith.cmpf olt, %reduce_sum3A_324, %select_n3A_303 : f32
        %add3A_326 = arith.addi %add3A_122, %add3A_307 : i32
        %select_n3A_327 = arith.select %lt3A_325, %add3A_326, %select_n3A_302 : i32
        %select_n3A_328 = arith.select %lt3A_325, %reduce_sum3A_324, %select_n3A_303 : f32
        %mul3A_329 = arith.constant 16 : i32
        %mul3A_330 = arith.muli %scan3A_129, %mul3A_329 : i32
        %add3A_331 = arith.constant 8 : i32
        %add3A_332 = arith.addi %mul3A_330, %add3A_331 : i32
        %get3A_333 = arith.index_cast %rem3A_92 : i32 to index
        %get3A_334 = arith.index_cast %add3A_332 : i32 to index
        %get3A_335 = arith.constant 0 : index
        %get3A_336 = tpu.vector_load %arg7[%get3A_333, %get3A_334, %get3A_335] {strides = array<i32>} : memref<2x1008x32xf32, #tpu.memory_space<vmem>>, vector<16xf32>,
        %get3A_337 = arith.index_cast %rem3A_92 : i32 to index
        %get3A_338 = arith.index_cast %add3A_332 : i32 to index
        %get3A_339 = arith.constant 16 : index
        %get3A_340 = tpu.vector_load %arg7[%get3A_337, %get3A_338, %get3A_339] {strides = array<i32>} : memref<2x1008x32xf32, #tpu.memory_space<vmem>>, vector<16xf32>,
        %sub3A_341 = arith.subf %get3A_336, %get3A_15 : vector<16xf32>
        %sub3A_342 = arith.subf %get3A_340, %get3A_17 : vector<16xf32>
        %mul3A_343 = arith.mulf %sub3A_341, %sub3A_341 : vector<16xf32>
        %mul3A_344 = arith.mulf %sub3A_342, %sub3A_342 : vector<16xf32>
        %add3A_345 = arith.addf %mul3A_343, %mul3A_344 : vector<16xf32>
        %reduce_sum3A_346 = arith.constant true
        %reduce_sum3A_347 = vector.broadcast %reduce_sum3A_346 : i1 to vector<16xi1>
        %reduce_sum3A_348 = tpu.scan <sum>, %add3A_345 masked %reduce_sum3A_347 : vector<16xf32>, vector<16xi1> -> vector<16xf32>
        %reduce_sum3A_349 = vector.extract %reduce_sum3A_348[15] : f32 from vector<16xf32>
        %lt3A_350 = arith.cmpf olt, %reduce_sum3A_349, %select_n3A_328 : f32
        %add3A_351 = arith.addi %add3A_122, %add3A_332 : i32
        %select_n3A_352 = arith.select %lt3A_350, %add3A_351, %select_n3A_327 : i32
        %select_n3A_353 = arith.select %lt3A_350, %reduce_sum3A_349, %select_n3A_328 : f32
        %mul3A_354 = arith.constant 16 : i32
        %mul3A_355 = arith.muli %scan3A_129, %mul3A_354 : i32
        %add3A_356 = arith.constant 9 : i32
        %add3A_357 = arith.addi %mul3A_355, %add3A_356 : i32
        %get3A_358 = arith.index_cast %rem3A_92 : i32 to index
        %get3A_359 = arith.index_cast %add3A_357 : i32 to index
        %get3A_360 = arith.constant 0 : index
        %get3A_361 = tpu.vector_load %arg7[%get3A_358, %get3A_359, %get3A_360] {strides = array<i32>} : memref<2x1008x32xf32, #tpu.memory_space<vmem>>, vector<16xf32>,
        %get3A_362 = arith.index_cast %rem3A_92 : i32 to index
        %get3A_363 = arith.index_cast %add3A_357 : i32 to index
        %get3A_364 = arith.constant 16 : index
        %get3A_365 = tpu.vector_load %arg7[%get3A_362, %get3A_363, %get3A_364] {strides = array<i32>} : memref<2x1008x32xf32, #tpu.memory_space<vmem>>, vector<16xf32>,
        %sub3A_366 = arith.subf %get3A_361, %get3A_15 : vector<16xf32>
        %sub3A_367 = arith.subf %get3A_365, %get3A_17 : vector<16xf32>
        %mul3A_368 = arith.mulf %sub3A_366, %sub3A_366 : vector<16xf32>
        %mul3A_369 = arith.mulf %sub3A_367, %sub3A_367 : vector<16xf32>
        %add3A_370 = arith.addf %mul3A_368, %mul3A_369 : vector<16xf32>
        %reduce_sum3A_371 = arith.constant true
        %reduce_sum3A_372 = vector.broadcast %reduce_sum3A_371 : i1 to vector<16xi1>
        %reduce_sum3A_373 = tpu.scan <sum>, %add3A_370 masked %reduce_sum3A_372 : vector<16xf32>, vector<16xi1> -> vector<16xf32>
        %reduce_sum3A_374 = vector.extract %reduce_sum3A_373[15] : f32 from vector<16xf32>
        %lt3A_375 = arith.cmpf olt, %reduce_sum3A_374, %select_n3A_353 : f32
        %add3A_376 = arith.addi %add3A_122, %add3A_357 : i32
        %select_n3A_377 = arith.select %lt3A_375, %add3A_376, %select_n3A_352 : i32
        %select_n3A_378 = arith.select %lt3A_375, %reduce_sum3A_374, %select_n3A_353 : f32
        %mul3A_379 = arith.constant 16 : i32
        %mul3A_380 = arith.muli %scan3A_129, %mul3A_379 : i32
        %add3A_381 = arith.constant 10 : i32
        %add3A_382 = arith.addi %mul3A_380, %add3A_381 : i32
        %get3A_383 = arith.index_cast %rem3A_92 : i32 to index
        %get3A_384 = arith.index_cast %add3A_382 : i32 to index
        %get3A_385 = arith.constant 0 : index
        %get3A_386 = tpu.vector_load %arg7[%get3A_383, %get3A_384, %get3A_385] {strides = array<i32>} : memref<2x1008x32xf32, #tpu.memory_space<vmem>>, vector<16xf32>,
        %get3A_387 = arith.index_cast %rem3A_92 : i32 to index
        %get3A_388 = arith.index_cast %add3A_382 : i32 to index
        %get3A_389 = arith.constant 16 : index
        %get3A_390 = tpu.vector_load %arg7[%get3A_387, %get3A_388, %get3A_389] {strides = array<i32>} : memref<2x1008x32xf32, #tpu.memory_space<vmem>>, vector<16xf32>,
        %sub3A_391 = arith.subf %get3A_386, %get3A_15 : vector<16xf32>
        %sub3A_392 = arith.subf %get3A_390, %get3A_17 : vector<16xf32>
        %mul3A_393 = arith.mulf %sub3A_391, %sub3A_391 : vector<16xf32>
        %mul3A_394 = arith.mulf %sub3A_392, %sub3A_392 : vector<16xf32>
        %add3A_395 = arith.addf %mul3A_393, %mul3A_394 : vector<16xf32>
        %reduce_sum3A_396 = arith.constant true
        %reduce_sum3A_397 = vector.broadcast %reduce_sum3A_396 : i1 to vector<16xi1>
        %reduce_sum3A_398 = tpu.scan <sum>, %add3A_395 masked %reduce_sum3A_397 : vector<16xf32>, vector<16xi1> -> vector<16xf32>
        %reduce_sum3A_399 = vector.extract %reduce_sum3A_398[15] : f32 from vector<16xf32>
        %lt3A_400 = arith.cmpf olt, %reduce_sum3A_399, %select_n3A_378 : f32
        %add3A_401 = arith.addi %add3A_122, %add3A_382 : i32
        %select_n3A_402 = arith.select %lt3A_400, %add3A_401, %select_n3A_377 : i32
        %select_n3A_403 = arith.select %lt3A_400, %reduce_sum3A_399, %select_n3A_378 : f32
        %mul3A_404 = arith.constant 16 : i32
        %mul3A_405 = arith.muli %scan3A_129, %mul3A_404 : i32
        %add3A_406 = arith.constant 11 : i32
        %add3A_407 = arith.addi %mul3A_405, %add3A_406 : i32
        %get3A_408 = arith.index_cast %rem3A_92 : i32 to index
        %get3A_409 = arith.index_cast %add3A_407 : i32 to index
        %get3A_410 = arith.constant 0 : index
        %get3A_411 = tpu.vector_load %arg7[%get3A_408, %get3A_409, %get3A_410] {strides = array<i32>} : memref<2x1008x32xf32, #tpu.memory_space<vmem>>, vector<16xf32>,
        %get3A_412 = arith.index_cast %rem3A_92 : i32 to index
        %get3A_413 = arith.index_cast %add3A_407 : i32 to index
        %get3A_414 = arith.constant 16 : index
        %get3A_415 = tpu.vector_load %arg7[%get3A_412, %get3A_413, %get3A_414] {strides = array<i32>} : memref<2x1008x32xf32, #tpu.memory_space<vmem>>, vector<16xf32>,
        %sub3A_416 = arith.subf %get3A_411, %get3A_15 : vector<16xf32>
        %sub3A_417 = arith.subf %get3A_415, %get3A_17 : vector<16xf32>
        %mul3A_418 = arith.mulf %sub3A_416, %sub3A_416 : vector<16xf32>
        %mul3A_419 = arith.mulf %sub3A_417, %sub3A_417 : vector<16xf32>
        %add3A_420 = arith.addf %mul3A_418, %mul3A_419 : vector<16xf32>
        %reduce_sum3A_421 = arith.constant true
        %reduce_sum3A_422 = vector.broadcast %reduce_sum3A_421 : i1 to vector<16xi1>
        %reduce_sum3A_423 = tpu.scan <sum>, %add3A_420 masked %reduce_sum3A_422 : vector<16xf32>, vector<16xi1> -> vector<16xf32>
        %reduce_sum3A_424 = vector.extract %reduce_sum3A_423[15] : f32 from vector<16xf32>
        %lt3A_425 = arith.cmpf olt, %reduce_sum3A_424, %select_n3A_403 : f32
        %add3A_426 = arith.addi %add3A_122, %add3A_407 : i32
        %select_n3A_427 = arith.select %lt3A_425, %add3A_426, %select_n3A_402 : i32
        %select_n3A_428 = arith.select %lt3A_425, %reduce_sum3A_424, %select_n3A_403 : f32
        %mul3A_429 = arith.constant 16 : i32
        %mul3A_430 = arith.muli %scan3A_129, %mul3A_429 : i32
        %add3A_431 = arith.constant 12 : i32
        %add3A_432 = arith.addi %mul3A_430, %add3A_431 : i32
        %get3A_433 = arith.index_cast %rem3A_92 : i32 to index
        %get3A_434 = arith.index_cast %add3A_432 : i32 to index
        %get3A_435 = arith.constant 0 : index
        %get3A_436 = tpu.vector_load %arg7[%get3A_433, %get3A_434, %get3A_435] {strides = array<i32>} : memref<2x1008x32xf32, #tpu.memory_space<vmem>>, vector<16xf32>,
        %get3A_437 = arith.index_cast %rem3A_92 : i32 to index
        %get3A_438 = arith.index_cast %add3A_432 : i32 to index
        %get3A_439 = arith.constant 16 : index
        %get3A_440 = tpu.vector_load %arg7[%get3A_437, %get3A_438, %get3A_439] {strides = array<i32>} : memref<2x1008x32xf32, #tpu.memory_space<vmem>>, vector<16xf32>,
        %sub3A_441 = arith.subf %get3A_436, %get3A_15 : vector<16xf32>
        %sub3A_442 = arith.subf %get3A_440, %get3A_17 : vector<16xf32>
        %mul3A_443 = arith.mulf %sub3A_441, %sub3A_441 : vector<16xf32>
        %mul3A_444 = arith.mulf %sub3A_442, %sub3A_442 : vector<16xf32>
        %add3A_445 = arith.addf %mul3A_443, %mul3A_444 : vector<16xf32>
        %reduce_sum3A_446 = arith.constant true
        %reduce_sum3A_447 = vector.broadcast %reduce_sum3A_446 : i1 to vector<16xi1>
        %reduce_sum3A_448 = tpu.scan <sum>, %add3A_445 masked %reduce_sum3A_447 : vector<16xf32>, vector<16xi1> -> vector<16xf32>
        %reduce_sum3A_449 = vector.extract %reduce_sum3A_448[15] : f32 from vector<16xf32>
        %lt3A_450 = arith.cmpf olt, %reduce_sum3A_449, %select_n3A_428 : f32
        %add3A_451 = arith.addi %add3A_122, %add3A_432 : i32
        %select_n3A_452 = arith.select %lt3A_450, %add3A_451, %select_n3A_427 : i32
        %select_n3A_453 = arith.select %lt3A_450, %reduce_sum3A_449, %select_n3A_428 : f32
        %mul3A_454 = arith.constant 16 : i32
        %mul3A_455 = arith.muli %scan3A_129, %mul3A_454 : i32
        %add3A_456 = arith.constant 13 : i32
        %add3A_457 = arith.addi %mul3A_455, %add3A_456 : i32
        %get3A_458 = arith.index_cast %rem3A_92 : i32 to index
        %get3A_459 = arith.index_cast %add3A_457 : i32 to index
        %get3A_460 = arith.constant 0 : index
        %get3A_461 = tpu.vector_load %arg7[%get3A_458, %get3A_459, %get3A_460] {strides = array<i32>} : memref<2x1008x32xf32, #tpu.memory_space<vmem>>, vector<16xf32>,
        %get3A_462 = arith.index_cast %rem3A_92 : i32 to index
        %get3A_463 = arith.index_cast %add3A_457 : i32 to index
        %get3A_464 = arith.constant 16 : index
        %get3A_465 = tpu.vector_load %arg7[%get3A_462, %get3A_463, %get3A_464] {strides = array<i32>} : memref<2x1008x32xf32, #tpu.memory_space<vmem>>, vector<16xf32>,
        %sub3A_466 = arith.subf %get3A_461, %get3A_15 : vector<16xf32>
        %sub3A_467 = arith.subf %get3A_465, %get3A_17 : vector<16xf32>
        %mul3A_468 = arith.mulf %sub3A_466, %sub3A_466 : vector<16xf32>
        %mul3A_469 = arith.mulf %sub3A_467, %sub3A_467 : vector<16xf32>
        %add3A_470 = arith.addf %mul3A_468, %mul3A_469 : vector<16xf32>
        %reduce_sum3A_471 = arith.constant true
        %reduce_sum3A_472 = vector.broadcast %reduce_sum3A_471 : i1 to vector<16xi1>
        %reduce_sum3A_473 = tpu.scan <sum>, %add3A_470 masked %reduce_sum3A_472 : vector<16xf32>, vector<16xi1> -> vector<16xf32>
        %reduce_sum3A_474 = vector.extract %reduce_sum3A_473[15] : f32 from vector<16xf32>
        %lt3A_475 = arith.cmpf olt, %reduce_sum3A_474, %select_n3A_453 : f32
        %add3A_476 = arith.addi %add3A_122, %add3A_457 : i32
        %select_n3A_477 = arith.select %lt3A_475, %add3A_476, %select_n3A_452 : i32
        %select_n3A_478 = arith.select %lt3A_475, %reduce_sum3A_474, %select_n3A_453 : f32
        %mul3A_479 = arith.constant 16 : i32
        %mul3A_480 = arith.muli %scan3A_129, %mul3A_479 : i32
        %add3A_481 = arith.constant 14 : i32
        %add3A_482 = arith.addi %mul3A_480, %add3A_481 : i32
        %get3A_483 = arith.index_cast %rem3A_92 : i32 to index
        %get3A_484 = arith.index_cast %add3A_482 : i32 to index
        %get3A_485 = arith.constant 0 : index
        %get3A_486 = tpu.vector_load %arg7[%get3A_483, %get3A_484, %get3A_485] {strides = array<i32>} : memref<2x1008x32xf32, #tpu.memory_space<vmem>>, vector<16xf32>,
        %get3A_487 = arith.index_cast %rem3A_92 : i32 to index
        %get3A_488 = arith.index_cast %add3A_482 : i32 to index
        %get3A_489 = arith.constant 16 : index
        %get3A_490 = tpu.vector_load %arg7[%get3A_487, %get3A_488, %get3A_489] {strides = array<i32>} : memref<2x1008x32xf32, #tpu.memory_space<vmem>>, vector<16xf32>,
        %sub3A_491 = arith.subf %get3A_486, %get3A_15 : vector<16xf32>
        %sub3A_492 = arith.subf %get3A_490, %get3A_17 : vector<16xf32>
        %mul3A_493 = arith.mulf %sub3A_491, %sub3A_491 : vector<16xf32>
        %mul3A_494 = arith.mulf %sub3A_492, %sub3A_492 : vector<16xf32>
        %add3A_495 = arith.addf %mul3A_493, %mul3A_494 : vector<16xf32>
        %reduce_sum3A_496 = arith.constant true
        %reduce_sum3A_497 = vector.broadcast %reduce_sum3A_496 : i1 to vector<16xi1>
        %reduce_sum3A_498 = tpu.scan <sum>, %add3A_495 masked %reduce_sum3A_497 : vector<16xf32>, vector<16xi1> -> vector<16xf32>
        %reduce_sum3A_499 = vector.extract %reduce_sum3A_498[15] : f32 from vector<16xf32>
        %lt3A_500 = arith.cmpf olt, %reduce_sum3A_499, %select_n3A_478 : f32
        %add3A_501 = arith.addi %add3A_122, %add3A_482 : i32
        %select_n3A_502 = arith.select %lt3A_500, %add3A_501, %select_n3A_477 : i32
        %select_n3A_503 = arith.select %lt3A_500, %reduce_sum3A_499, %select_n3A_478 : f32
        %mul3A_504 = arith.constant 16 : i32
        %mul3A_505 = arith.muli %scan3A_129, %mul3A_504 : i32
        %add3A_506 = arith.constant 15 : i32
        %add3A_507 = arith.addi %mul3A_505, %add3A_506 : i32
        %get3A_508 = arith.index_cast %rem3A_92 : i32 to index
        %get3A_509 = arith.index_cast %add3A_507 : i32 to index
        %get3A_510 = arith.constant 0 : index
        %get3A_511 = tpu.vector_load %arg7[%get3A_508, %get3A_509, %get3A_510] {strides = array<i32>} : memref<2x1008x32xf32, #tpu.memory_space<vmem>>, vector<16xf32>,
        %get3A_512 = arith.index_cast %rem3A_92 : i32 to index
        %get3A_513 = arith.index_cast %add3A_507 : i32 to index
        %get3A_514 = arith.constant 16 : index
        %get3A_515 = tpu.vector_load %arg7[%get3A_512, %get3A_513, %get3A_514] {strides = array<i32>} : memref<2x1008x32xf32, #tpu.memory_space<vmem>>, vector<16xf32>,
        %sub3A_516 = arith.subf %get3A_511, %get3A_15 : vector<16xf32>
        %sub3A_517 = arith.subf %get3A_515, %get3A_17 : vector<16xf32>
        %mul3A_518 = arith.mulf %sub3A_516, %sub3A_516 : vector<16xf32>
        %mul3A_519 = arith.mulf %sub3A_517, %sub3A_517 : vector<16xf32>
        %add3A_520 = arith.addf %mul3A_518, %mul3A_519 : vector<16xf32>
        %reduce_sum3A_521 = arith.constant true
        %reduce_sum3A_522 = vector.broadcast %reduce_sum3A_521 : i1 to vector<16xi1>
        %reduce_sum3A_523 = tpu.scan <sum>, %add3A_520 masked %reduce_sum3A_522 : vector<16xf32>, vector<16xi1> -> vector<16xf32>
        %reduce_sum3A_524 = vector.extract %reduce_sum3A_523[15] : f32 from vector<16xf32>
        %lt3A_525 = arith.cmpf olt, %reduce_sum3A_524, %select_n3A_503 : f32
        %add3A_526 = arith.addi %add3A_122, %add3A_507 : i32
        %select_n3A_527 = arith.select %lt3A_525, %add3A_526, %select_n3A_502 : i32
        %select_n3A_528 = arith.select %lt3A_525, %reduce_sum3A_524, %select_n3A_503 : f32
        scf.yield %select_n3A_528, %select_n3A_527 : f32, i32
      }
      %scan3A_128 = arith.constant 63 : i32
      scf.yield %scan3A_127#0, %scan3A_127#1 : f32, i32
    }
    %scan3A_40 = arith.constant 31 : i32
    %eq3A = arith.constant 31 : i32
    %eq3A_41 = arith.cmpi eq, %add3A, %eq3A : i32
    %convert_element_type3A = arith.extui %eq3A_41 : i1 to i32
    %cond3A = arith.constant 0 : i32
    %cond3A_42 = arith.cmpi ne, %convert_element_type3A, %cond3A : i32
    scf.if %cond3A_42 {
      %dma_start3A_89 = arith.constant 0 : i32
      %dma_start3A_90 = arith.constant 0 : i32
      %dma_start3A_91 = arith.constant 0 : i32
      %dma_start3A_92 = arith.constant 0 : i32
      %dma_start3A_93 = tpu.memref_slice %arg7[%dma_start3A_89, %dma_start3A_91, %dma_start3A_92] : memref<2x1008x32xf32, #tpu.memory_space<vmem>> -> memref<1x64x32xf32, #tpu.memory_space<vmem>>
      %dma_start3A_94 = tpu.memref_squeeze %dma_start3A_93 : memref<1x64x32xf32, #tpu.memory_space<vmem>> -> memref<64x32xf32, #tpu.memory_space<vmem>>
      %dma_start3A_95 = arith.constant 999936 : i32
      %dma_start3A_96 = arith.constant 0 : i32
      %dma_start3A_97 = tpu.memref_slice %arg3[%dma_start3A_95, %dma_start3A_96] : memref<1000000x32xf32, #tpu.memory_space<hbm>> -> memref<64x32xf32, #tpu.memory_space<hbm>>
      %dma_start3A_98 = tpu.memref_slice %arg10[%dma_start3A_90] : memref<2x!tpu.dma_semaphore, #tpu.memory_space<semaphore_mem>> -> memref<1x!tpu.dma_semaphore, #tpu.memory_space<semaphore_mem>>
      %dma_start3A_99 = tpu.memref_squeeze %dma_start3A_98 : memref<1x!tpu.dma_semaphore, #tpu.memory_space<semaphore_mem>> -> memref<!tpu.dma_semaphore, #tpu.memory_space<semaphore_mem>>
      %dma_start3A_100 = arith.constant 0 : i32
      %dma_start3A_101 = arith.constant 0 : i32
      %dma_start3A_102 = tpu.memref_slice %arg7[%dma_start3A_89, %dma_start3A_100, %dma_start3A_101] : memref<2x1008x32xf32, #tpu.memory_space<vmem>> -> memref<1x64x32xf32, #tpu.memory_space<vmem>>
      %dma_start3A_103 = tpu.memref_squeeze %dma_start3A_102 : memref<1x64x32xf32, #tpu.memory_space<vmem>> -> memref<64x32xf32, #tpu.memory_space<vmem>>
      %dma_start3A_104 = arith.constant 999936 : i32
      %dma_start3A_105 = arith.constant 0 : i32
      %dma_start3A_106 = tpu.memref_slice %arg3[%dma_start3A_104, %dma_start3A_105] : memref<1000000x32xf32, #tpu.memory_space<hbm>> -> memref<64x32xf32, #tpu.memory_space<hbm>>
      tpu.enqueue_dma source(%dma_start3A_106 : memref<64x32xf32, #tpu.memory_space<hbm>>) target(%dma_start3A_103 : memref<64x32xf32, #tpu.memory_space<vmem>>) target_semaphore(%dma_start3A_99 : memref<!tpu.dma_semaphore, #tpu.memory_space<semaphore_mem>>)
      %dma_wait3A_107 = arith.constant 0 : i32
      %dma_wait3A_108 = arith.constant 0 : i32
      %dma_wait3A_109 = arith.constant 0 : i32
      %dma_wait3A_110 = arith.constant 0 : i32
      %dma_wait3A_111 = tpu.memref_slice %arg7[%dma_wait3A_107, %dma_wait3A_109, %dma_wait3A_110] : memref<2x1008x32xf32, #tpu.memory_space<vmem>> -> memref<1x64x32xf32, #tpu.memory_space<vmem>>
      %dma_wait3A_112 = tpu.memref_squeeze %dma_wait3A_111 : memref<1x64x32xf32, #tpu.memory_space<vmem>> -> memref<64x32xf32, #tpu.memory_space<vmem>>
      %dma_wait3A_113 = arith.constant 999936 : i32
      %dma_wait3A_114 = arith.constant 0 : i32
      %dma_wait3A_115 = tpu.memref_slice %arg3[%dma_wait3A_113, %dma_wait3A_114] : memref<1000000x32xf32, #tpu.memory_space<hbm>> -> memref<64x32xf32, #tpu.memory_space<hbm>>
      %dma_wait3A_116 = tpu.memref_slice %arg10[%dma_wait3A_108] : memref<2x!tpu.dma_semaphore, #tpu.memory_space<semaphore_mem>> -> memref<1x!tpu.dma_semaphore, #tpu.memory_space<semaphore_mem>>
      %dma_wait3A_117 = tpu.memref_squeeze %dma_wait3A_116 : memref<1x!tpu.dma_semaphore, #tpu.memory_space<semaphore_mem>> -> memref<!tpu.dma_semaphore, #tpu.memory_space<semaphore_mem>>
      %dma_wait3A_118 = arith.constant 0 : i32
      %dma_wait3A_119 = arith.constant 0 : i32
      %dma_wait3A_120 = tpu.memref_slice %arg7[%dma_wait3A_107, %dma_wait3A_118, %dma_wait3A_119] : memref<2x1008x32xf32, #tpu.memory_space<vmem>> -> memref<1x64x32xf32, #tpu.memory_space<vmem>>
      %dma_wait3A_121 = tpu.memref_squeeze %dma_wait3A_120 : memref<1x64x32xf32, #tpu.memory_space<vmem>> -> memref<64x32xf32, #tpu.memory_space<vmem>>
      %dma_wait3A_122 = arith.constant 999936 : i32
      %dma_wait3A_123 = arith.constant 0 : i32
      %dma_wait3A_124 = tpu.memref_slice %arg3[%dma_wait3A_122, %dma_wait3A_123] : memref<1000000x32xf32, #tpu.memory_space<hbm>> -> memref<64x32xf32, #tpu.memory_space<hbm>>
      tpu.wait_dma2 semaphore(%dma_wait3A_117 : memref<!tpu.dma_semaphore, #tpu.memory_space<semaphore_mem>>) src(%dma_wait3A_124 : memref<64x32xf32, #tpu.memory_space<hbm>>) dst(%dma_wait3A_121 : memref<64x32xf32, #tpu.memory_space<vmem>>)
    } else {
    }
    %eq3A_43 = arith.constant 31 : i32
    %eq3A_44 = arith.cmpi eq, %add3A, %eq3A_43 : i32
    %convert_element_type3A_45 = arith.extui %eq3A_44 : i1 to i32
    %cond3A_46 = arith.constant 0 : i32
    %cond3A_47 = arith.cmpi ne, %convert_element_type3A_45, %cond3A_46 : i32
    %cond3A_48:2 = scf.if %cond3A_47 -> (f32, i32) {
      %scan3A_89 = arith.constant 0 : i32
      %scan3A_90 = arith.constant 4 : i32
      %scan3A_91 = arith.addi %scan3A_89, %scan3A_90 : i32
      %scan3A_92 = arith.constant 1 : i32
      %scan3A_93:2 = scf.for %scan3A_95 = %scan3A_89 to %scan3A_91 step %scan3A_92 iter_args(%scan3A_96 = %scan3A_39#0, %scan3A_97 = %scan3A_39#1) -> (f32, i32)  : i32 {
        %mul3A_98 = arith.constant 16 : i32
        %mul3A_99 = arith.muli %scan3A_95, %mul3A_98 : i32
        %add3A_100 = arith.constant 0 : i32
        %add3A_101 = arith.addi %mul3A_99, %add3A_100 : i32
        %get3A_102 = arith.constant 0 : i32
        %get3A_103 = arith.index_cast %get3A_102 : i32 to index
        %get3A_104 = arith.index_cast %add3A_101 : i32 to index
        %get3A_105 = arith.constant 0 : index
        %get3A_106 = tpu.vector_load %arg7[%get3A_103, %get3A_104, %get3A_105] {strides = array<i32>} : memref<2x1008x32xf32, #tpu.memory_space<vmem>>, vector<16xf32>,
        %get3A_107 = arith.constant 0 : i32
        %get3A_108 = arith.index_cast %get3A_107 : i32 to index
        %get3A_109 = arith.index_cast %add3A_101 : i32 to index
        %get3A_110 = arith.constant 16 : index
        %get3A_111 = tpu.vector_load %arg7[%get3A_108, %get3A_109, %get3A_110] {strides = array<i32>} : memref<2x1008x32xf32, #tpu.memory_space<vmem>>, vector<16xf32>,
        %sub3A = arith.subf %get3A_106, %get3A_15 : vector<16xf32>
        %sub3A_112 = arith.subf %get3A_111, %get3A_17 : vector<16xf32>
        %mul3A_113 = arith.mulf %sub3A, %sub3A : vector<16xf32>
        %mul3A_114 = arith.mulf %sub3A_112, %sub3A_112 : vector<16xf32>
        %add3A_115 = arith.addf %mul3A_113, %mul3A_114 : vector<16xf32>
        %reduce_sum3A = arith.constant true
        %reduce_sum3A_116 = vector.broadcast %reduce_sum3A : i1 to vector<16xi1>
        %reduce_sum3A_117 = tpu.scan <sum>, %add3A_115 masked %reduce_sum3A_116 : vector<16xf32>, vector<16xi1> -> vector<16xf32>
        %reduce_sum3A_118 = vector.extract %reduce_sum3A_117[15] : f32 from vector<16xf32>
        %lt3A = arith.cmpf olt, %reduce_sum3A_118, %scan3A_96 : f32
        %add3A_119 = arith.constant 999936 : i32
        %add3A_120 = arith.addi %add3A_119, %add3A_101 : i32
        %select_n3A = arith.select %lt3A, %add3A_120, %scan3A_97 : i32
        %select_n3A_121 = arith.select %lt3A, %reduce_sum3A_118, %scan3A_96 : f32
        %mul3A_122 = arith.constant 16 : i32
        %mul3A_123 = arith.muli %scan3A_95, %mul3A_122 : i32
        %add3A_124 = arith.constant 1 : i32
        %add3A_125 = arith.addi %mul3A_123, %add3A_124 : i32
        %get3A_126 = arith.constant 0 : i32
        %get3A_127 = arith.index_cast %get3A_126 : i32 to index
        %get3A_128 = arith.index_cast %add3A_125 : i32 to index
        %get3A_129 = arith.constant 0 : index
        %get3A_130 = tpu.vector_load %arg7[%get3A_127, %get3A_128, %get3A_129] {strides = array<i32>} : memref<2x1008x32xf32, #tpu.memory_space<vmem>>, vector<16xf32>,
        %get3A_131 = arith.constant 0 : i32
        %get3A_132 = arith.index_cast %get3A_131 : i32 to index
        %get3A_133 = arith.index_cast %add3A_125 : i32 to index
        %get3A_134 = arith.constant 16 : index
        %get3A_135 = tpu.vector_load %arg7[%get3A_132, %get3A_133, %get3A_134] {strides = array<i32>} : memref<2x1008x32xf32, #tpu.memory_space<vmem>>, vector<16xf32>,
        %sub3A_136 = arith.subf %get3A_130, %get3A_15 : vector<16xf32>
        %sub3A_137 = arith.subf %get3A_135, %get3A_17 : vector<16xf32>
        %mul3A_138 = arith.mulf %sub3A_136, %sub3A_136 : vector<16xf32>
        %mul3A_139 = arith.mulf %sub3A_137, %sub3A_137 : vector<16xf32>
        %add3A_140 = arith.addf %mul3A_138, %mul3A_139 : vector<16xf32>
        %reduce_sum3A_141 = arith.constant true
        %reduce_sum3A_142 = vector.broadcast %reduce_sum3A_141 : i1 to vector<16xi1>
        %reduce_sum3A_143 = tpu.scan <sum>, %add3A_140 masked %reduce_sum3A_142 : vector<16xf32>, vector<16xi1> -> vector<16xf32>
        %reduce_sum3A_144 = vector.extract %reduce_sum3A_143[15] : f32 from vector<16xf32>
        %lt3A_145 = arith.cmpf olt, %reduce_sum3A_144, %select_n3A_121 : f32
        %add3A_146 = arith.constant 999936 : i32
        %add3A_147 = arith.addi %add3A_146, %add3A_125 : i32
        %select_n3A_148 = arith.select %lt3A_145, %add3A_147, %select_n3A : i32
        %select_n3A_149 = arith.select %lt3A_145, %reduce_sum3A_144, %select_n3A_121 : f32
        %mul3A_150 = arith.constant 16 : i32
        %mul3A_151 = arith.muli %scan3A_95, %mul3A_150 : i32
        %add3A_152 = arith.constant 2 : i32
        %add3A_153 = arith.addi %mul3A_151, %add3A_152 : i32
        %get3A_154 = arith.constant 0 : i32
        %get3A_155 = arith.index_cast %get3A_154 : i32 to index
        %get3A_156 = arith.index_cast %add3A_153 : i32 to index
        %get3A_157 = arith.constant 0 : index
        %get3A_158 = tpu.vector_load %arg7[%get3A_155, %get3A_156, %get3A_157] {strides = array<i32>} : memref<2x1008x32xf32, #tpu.memory_space<vmem>>, vector<16xf32>,
        %get3A_159 = arith.constant 0 : i32
        %get3A_160 = arith.index_cast %get3A_159 : i32 to index
        %get3A_161 = arith.index_cast %add3A_153 : i32 to index
        %get3A_162 = arith.constant 16 : index
        %get3A_163 = tpu.vector_load %arg7[%get3A_160, %get3A_161, %get3A_162] {strides = array<i32>} : memref<2x1008x32xf32, #tpu.memory_space<vmem>>, vector<16xf32>,
        %sub3A_164 = arith.subf %get3A_158, %get3A_15 : vector<16xf32>
        %sub3A_165 = arith.subf %get3A_163, %get3A_17 : vector<16xf32>
        %mul3A_166 = arith.mulf %sub3A_164, %sub3A_164 : vector<16xf32>
        %mul3A_167 = arith.mulf %sub3A_165, %sub3A_165 : vector<16xf32>
        %add3A_168 = arith.addf %mul3A_166, %mul3A_167 : vector<16xf32>
        %reduce_sum3A_169 = arith.constant true
        %reduce_sum3A_170 = vector.broadcast %reduce_sum3A_169 : i1 to vector<16xi1>
        %reduce_sum3A_171 = tpu.scan <sum>, %add3A_168 masked %reduce_sum3A_170 : vector<16xf32>, vector<16xi1> -> vector<16xf32>
        %reduce_sum3A_172 = vector.extract %reduce_sum3A_171[15] : f32 from vector<16xf32>
        %lt3A_173 = arith.cmpf olt, %reduce_sum3A_172, %select_n3A_149 : f32
        %add3A_174 = arith.constant 999936 : i32
        %add3A_175 = arith.addi %add3A_174, %add3A_153 : i32
        %select_n3A_176 = arith.select %lt3A_173, %add3A_175, %select_n3A_148 : i32
        %select_n3A_177 = arith.select %lt3A_173, %reduce_sum3A_172, %select_n3A_149 : f32
        %mul3A_178 = arith.constant 16 : i32
        %mul3A_179 = arith.muli %scan3A_95, %mul3A_178 : i32
        %add3A_180 = arith.constant 3 : i32
        %add3A_181 = arith.addi %mul3A_179, %add3A_180 : i32
        %get3A_182 = arith.constant 0 : i32
        %get3A_183 = arith.index_cast %get3A_182 : i32 to index
        %get3A_184 = arith.index_cast %add3A_181 : i32 to index
        %get3A_185 = arith.constant 0 : index
        %get3A_186 = tpu.vector_load %arg7[%get3A_183, %get3A_184, %get3A_185] {strides = array<i32>} : memref<2x1008x32xf32, #tpu.memory_space<vmem>>, vector<16xf32>,
        %get3A_187 = arith.constant 0 : i32
        %get3A_188 = arith.index_cast %get3A_187 : i32 to index
        %get3A_189 = arith.index_cast %add3A_181 : i32 to index
        %get3A_190 = arith.constant 16 : index
        %get3A_191 = tpu.vector_load %arg7[%get3A_188, %get3A_189, %get3A_190] {strides = array<i32>} : memref<2x1008x32xf32, #tpu.memory_space<vmem>>, vector<16xf32>,
        %sub3A_192 = arith.subf %get3A_186, %get3A_15 : vector<16xf32>
        %sub3A_193 = arith.subf %get3A_191, %get3A_17 : vector<16xf32>
        %mul3A_194 = arith.mulf %sub3A_192, %sub3A_192 : vector<16xf32>
        %mul3A_195 = arith.mulf %sub3A_193, %sub3A_193 : vector<16xf32>
        %add3A_196 = arith.addf %mul3A_194, %mul3A_195 : vector<16xf32>
        %reduce_sum3A_197 = arith.constant true
        %reduce_sum3A_198 = vector.broadcast %reduce_sum3A_197 : i1 to vector<16xi1>
        %reduce_sum3A_199 = tpu.scan <sum>, %add3A_196 masked %reduce_sum3A_198 : vector<16xf32>, vector<16xi1> -> vector<16xf32>
        %reduce_sum3A_200 = vector.extract %reduce_sum3A_199[15] : f32 from vector<16xf32>
        %lt3A_201 = arith.cmpf olt, %reduce_sum3A_200, %select_n3A_177 : f32
        %add3A_202 = arith.constant 999936 : i32
        %add3A_203 = arith.addi %add3A_202, %add3A_181 : i32
        %select_n3A_204 = arith.select %lt3A_201, %add3A_203, %select_n3A_176 : i32
        %select_n3A_205 = arith.select %lt3A_201, %reduce_sum3A_200, %select_n3A_177 : f32
        %mul3A_206 = arith.constant 16 : i32
        %mul3A_207 = arith.muli %scan3A_95, %mul3A_206 : i32
        %add3A_208 = arith.constant 4 : i32
        %add3A_209 = arith.addi %mul3A_207, %add3A_208 : i32
        %get3A_210 = arith.constant 0 : i32
        %get3A_211 = arith.index_cast %get3A_210 : i32 to index
        %get3A_212 = arith.index_cast %add3A_209 : i32 to index
        %get3A_213 = arith.constant 0 : index
        %get3A_214 = tpu.vector_load %arg7[%get3A_211, %get3A_212, %get3A_213] {strides = array<i32>} : memref<2x1008x32xf32, #tpu.memory_space<vmem>>, vector<16xf32>,
        %get3A_215 = arith.constant 0 : i32
        %get3A_216 = arith.index_cast %get3A_215 : i32 to index
        %get3A_217 = arith.index_cast %add3A_209 : i32 to index
        %get3A_218 = arith.constant 16 : index
        %get3A_219 = tpu.vector_load %arg7[%get3A_216, %get3A_217, %get3A_218] {strides = array<i32>} : memref<2x1008x32xf32, #tpu.memory_space<vmem>>, vector<16xf32>,
        %sub3A_220 = arith.subf %get3A_214, %get3A_15 : vector<16xf32>
        %sub3A_221 = arith.subf %get3A_219, %get3A_17 : vector<16xf32>
        %mul3A_222 = arith.mulf %sub3A_220, %sub3A_220 : vector<16xf32>
        %mul3A_223 = arith.mulf %sub3A_221, %sub3A_221 : vector<16xf32>
        %add3A_224 = arith.addf %mul3A_222, %mul3A_223 : vector<16xf32>
        %reduce_sum3A_225 = arith.constant true
        %reduce_sum3A_226 = vector.broadcast %reduce_sum3A_225 : i1 to vector<16xi1>
        %reduce_sum3A_227 = tpu.scan <sum>, %add3A_224 masked %reduce_sum3A_226 : vector<16xf32>, vector<16xi1> -> vector<16xf32>
        %reduce_sum3A_228 = vector.extract %reduce_sum3A_227[15] : f32 from vector<16xf32>
        %lt3A_229 = arith.cmpf olt, %reduce_sum3A_228, %select_n3A_205 : f32
        %add3A_230 = arith.constant 999936 : i32
        %add3A_231 = arith.addi %add3A_230, %add3A_209 : i32
        %select_n3A_232 = arith.select %lt3A_229, %add3A_231, %select_n3A_204 : i32
        %select_n3A_233 = arith.select %lt3A_229, %reduce_sum3A_228, %select_n3A_205 : f32
        %mul3A_234 = arith.constant 16 : i32
        %mul3A_235 = arith.muli %scan3A_95, %mul3A_234 : i32
        %add3A_236 = arith.constant 5 : i32
        %add3A_237 = arith.addi %mul3A_235, %add3A_236 : i32
        %get3A_238 = arith.constant 0 : i32
        %get3A_239 = arith.index_cast %get3A_238 : i32 to index
        %get3A_240 = arith.index_cast %add3A_237 : i32 to index
        %get3A_241 = arith.constant 0 : index
        %get3A_242 = tpu.vector_load %arg7[%get3A_239, %get3A_240, %get3A_241] {strides = array<i32>} : memref<2x1008x32xf32, #tpu.memory_space<vmem>>, vector<16xf32>,
        %get3A_243 = arith.constant 0 : i32
        %get3A_244 = arith.index_cast %get3A_243 : i32 to index
        %get3A_245 = arith.index_cast %add3A_237 : i32 to index
        %get3A_246 = arith.constant 16 : index
        %get3A_247 = tpu.vector_load %arg7[%get3A_244, %get3A_245, %get3A_246] {strides = array<i32>} : memref<2x1008x32xf32, #tpu.memory_space<vmem>>, vector<16xf32>,
        %sub3A_248 = arith.subf %get3A_242, %get3A_15 : vector<16xf32>
        %sub3A_249 = arith.subf %get3A_247, %get3A_17 : vector<16xf32>
        %mul3A_250 = arith.mulf %sub3A_248, %sub3A_248 : vector<16xf32>
        %mul3A_251 = arith.mulf %sub3A_249, %sub3A_249 : vector<16xf32>
        %add3A_252 = arith.addf %mul3A_250, %mul3A_251 : vector<16xf32>
        %reduce_sum3A_253 = arith.constant true
        %reduce_sum3A_254 = vector.broadcast %reduce_sum3A_253 : i1 to vector<16xi1>
        %reduce_sum3A_255 = tpu.scan <sum>, %add3A_252 masked %reduce_sum3A_254 : vector<16xf32>, vector<16xi1> -> vector<16xf32>
        %reduce_sum3A_256 = vector.extract %reduce_sum3A_255[15] : f32 from vector<16xf32>
        %lt3A_257 = arith.cmpf olt, %reduce_sum3A_256, %select_n3A_233 : f32
        %add3A_258 = arith.constant 999936 : i32
        %add3A_259 = arith.addi %add3A_258, %add3A_237 : i32
        %select_n3A_260 = arith.select %lt3A_257, %add3A_259, %select_n3A_232 : i32
        %select_n3A_261 = arith.select %lt3A_257, %reduce_sum3A_256, %select_n3A_233 : f32
        %mul3A_262 = arith.constant 16 : i32
        %mul3A_263 = arith.muli %scan3A_95, %mul3A_262 : i32
        %add3A_264 = arith.constant 6 : i32
        %add3A_265 = arith.addi %mul3A_263, %add3A_264 : i32
        %get3A_266 = arith.constant 0 : i32
        %get3A_267 = arith.index_cast %get3A_266 : i32 to index
        %get3A_268 = arith.index_cast %add3A_265 : i32 to index
        %get3A_269 = arith.constant 0 : index
        %get3A_270 = tpu.vector_load %arg7[%get3A_267, %get3A_268, %get3A_269] {strides = array<i32>} : memref<2x1008x32xf32, #tpu.memory_space<vmem>>, vector<16xf32>,
        %get3A_271 = arith.constant 0 : i32
        %get3A_272 = arith.index_cast %get3A_271 : i32 to index
        %get3A_273 = arith.index_cast %add3A_265 : i32 to index
        %get3A_274 = arith.constant 16 : index
        %get3A_275 = tpu.vector_load %arg7[%get3A_272, %get3A_273, %get3A_274] {strides = array<i32>} : memref<2x1008x32xf32, #tpu.memory_space<vmem>>, vector<16xf32>,
        %sub3A_276 = arith.subf %get3A_270, %get3A_15 : vector<16xf32>
        %sub3A_277 = arith.subf %get3A_275, %get3A_17 : vector<16xf32>
        %mul3A_278 = arith.mulf %sub3A_276, %sub3A_276 : vector<16xf32>
        %mul3A_279 = arith.mulf %sub3A_277, %sub3A_277 : vector<16xf32>
        %add3A_280 = arith.addf %mul3A_278, %mul3A_279 : vector<16xf32>
        %reduce_sum3A_281 = arith.constant true
        %reduce_sum3A_282 = vector.broadcast %reduce_sum3A_281 : i1 to vector<16xi1>
        %reduce_sum3A_283 = tpu.scan <sum>, %add3A_280 masked %reduce_sum3A_282 : vector<16xf32>, vector<16xi1> -> vector<16xf32>
        %reduce_sum3A_284 = vector.extract %reduce_sum3A_283[15] : f32 from vector<16xf32>
        %lt3A_285 = arith.cmpf olt, %reduce_sum3A_284, %select_n3A_261 : f32
        %add3A_286 = arith.constant 999936 : i32
        %add3A_287 = arith.addi %add3A_286, %add3A_265 : i32
        %select_n3A_288 = arith.select %lt3A_285, %add3A_287, %select_n3A_260 : i32
        %select_n3A_289 = arith.select %lt3A_285, %reduce_sum3A_284, %select_n3A_261 : f32
        %mul3A_290 = arith.constant 16 : i32
        %mul3A_291 = arith.muli %scan3A_95, %mul3A_290 : i32
        %add3A_292 = arith.constant 7 : i32
        %add3A_293 = arith.addi %mul3A_291, %add3A_292 : i32
        %get3A_294 = arith.constant 0 : i32
        %get3A_295 = arith.index_cast %get3A_294 : i32 to index
        %get3A_296 = arith.index_cast %add3A_293 : i32 to index
        %get3A_297 = arith.constant 0 : index
        %get3A_298 = tpu.vector_load %arg7[%get3A_295, %get3A_296, %get3A_297] {strides = array<i32>} : memref<2x1008x32xf32, #tpu.memory_space<vmem>>, vector<16xf32>,
        %get3A_299 = arith.constant 0 : i32
        %get3A_300 = arith.index_cast %get3A_299 : i32 to index
        %get3A_301 = arith.index_cast %add3A_293 : i32 to index
        %get3A_302 = arith.constant 16 : index
        %get3A_303 = tpu.vector_load %arg7[%get3A_300, %get3A_301, %get3A_302] {strides = array<i32>} : memref<2x1008x32xf32, #tpu.memory_space<vmem>>, vector<16xf32>,
        %sub3A_304 = arith.subf %get3A_298, %get3A_15 : vector<16xf32>
        %sub3A_305 = arith.subf %get3A_303, %get3A_17 : vector<16xf32>
        %mul3A_306 = arith.mulf %sub3A_304, %sub3A_304 : vector<16xf32>
        %mul3A_307 = arith.mulf %sub3A_305, %sub3A_305 : vector<16xf32>
        %add3A_308 = arith.addf %mul3A_306, %mul3A_307 : vector<16xf32>
        %reduce_sum3A_309 = arith.constant true
        %reduce_sum3A_310 = vector.broadcast %reduce_sum3A_309 : i1 to vector<16xi1>
        %reduce_sum3A_311 = tpu.scan <sum>, %add3A_308 masked %reduce_sum3A_310 : vector<16xf32>, vector<16xi1> -> vector<16xf32>
        %reduce_sum3A_312 = vector.extract %reduce_sum3A_311[15] : f32 from vector<16xf32>
        %lt3A_313 = arith.cmpf olt, %reduce_sum3A_312, %select_n3A_289 : f32
        %add3A_314 = arith.constant 999936 : i32
        %add3A_315 = arith.addi %add3A_314, %add3A_293 : i32
        %select_n3A_316 = arith.select %lt3A_313, %add3A_315, %select_n3A_288 : i32
        %select_n3A_317 = arith.select %lt3A_313, %reduce_sum3A_312, %select_n3A_289 : f32
        %mul3A_318 = arith.constant 16 : i32
        %mul3A_319 = arith.muli %scan3A_95, %mul3A_318 : i32
        %add3A_320 = arith.constant 8 : i32
        %add3A_321 = arith.addi %mul3A_319, %add3A_320 : i32
        %get3A_322 = arith.constant 0 : i32
        %get3A_323 = arith.index_cast %get3A_322 : i32 to index
        %get3A_324 = arith.index_cast %add3A_321 : i32 to index
        %get3A_325 = arith.constant 0 : index
        %get3A_326 = tpu.vector_load %arg7[%get3A_323, %get3A_324, %get3A_325] {strides = array<i32>} : memref<2x1008x32xf32, #tpu.memory_space<vmem>>, vector<16xf32>,
        %get3A_327 = arith.constant 0 : i32
        %get3A_328 = arith.index_cast %get3A_327 : i32 to index
        %get3A_329 = arith.index_cast %add3A_321 : i32 to index
        %get3A_330 = arith.constant 16 : index
        %get3A_331 = tpu.vector_load %arg7[%get3A_328, %get3A_329, %get3A_330] {strides = array<i32>} : memref<2x1008x32xf32, #tpu.memory_space<vmem>>, vector<16xf32>,
        %sub3A_332 = arith.subf %get3A_326, %get3A_15 : vector<16xf32>
        %sub3A_333 = arith.subf %get3A_331, %get3A_17 : vector<16xf32>
        %mul3A_334 = arith.mulf %sub3A_332, %sub3A_332 : vector<16xf32>
        %mul3A_335 = arith.mulf %sub3A_333, %sub3A_333 : vector<16xf32>
        %add3A_336 = arith.addf %mul3A_334, %mul3A_335 : vector<16xf32>
        %reduce_sum3A_337 = arith.constant true
        %reduce_sum3A_338 = vector.broadcast %reduce_sum3A_337 : i1 to vector<16xi1>
        %reduce_sum3A_339 = tpu.scan <sum>, %add3A_336 masked %reduce_sum3A_338 : vector<16xf32>, vector<16xi1> -> vector<16xf32>
        %reduce_sum3A_340 = vector.extract %reduce_sum3A_339[15] : f32 from vector<16xf32>
        %lt3A_341 = arith.cmpf olt, %reduce_sum3A_340, %select_n3A_317 : f32
        %add3A_342 = arith.constant 999936 : i32
        %add3A_343 = arith.addi %add3A_342, %add3A_321 : i32
        %select_n3A_344 = arith.select %lt3A_341, %add3A_343, %select_n3A_316 : i32
        %select_n3A_345 = arith.select %lt3A_341, %reduce_sum3A_340, %select_n3A_317 : f32
        %mul3A_346 = arith.constant 16 : i32
        %mul3A_347 = arith.muli %scan3A_95, %mul3A_346 : i32
        %add3A_348 = arith.constant 9 : i32
        %add3A_349 = arith.addi %mul3A_347, %add3A_348 : i32
        %get3A_350 = arith.constant 0 : i32
        %get3A_351 = arith.index_cast %get3A_350 : i32 to index
        %get3A_352 = arith.index_cast %add3A_349 : i32 to index
        %get3A_353 = arith.constant 0 : index
        %get3A_354 = tpu.vector_load %arg7[%get3A_351, %get3A_352, %get3A_353] {strides = array<i32>} : memref<2x1008x32xf32, #tpu.memory_space<vmem>>, vector<16xf32>,
        %get3A_355 = arith.constant 0 : i32
        %get3A_356 = arith.index_cast %get3A_355 : i32 to index
        %get3A_357 = arith.index_cast %add3A_349 : i32 to index
        %get3A_358 = arith.constant 16 : index
        %get3A_359 = tpu.vector_load %arg7[%get3A_356, %get3A_357, %get3A_358] {strides = array<i32>} : memref<2x1008x32xf32, #tpu.memory_space<vmem>>, vector<16xf32>,
        %sub3A_360 = arith.subf %get3A_354, %get3A_15 : vector<16xf32>
        %sub3A_361 = arith.subf %get3A_359, %get3A_17 : vector<16xf32>
        %mul3A_362 = arith.mulf %sub3A_360, %sub3A_360 : vector<16xf32>
        %mul3A_363 = arith.mulf %sub3A_361, %sub3A_361 : vector<16xf32>
        %add3A_364 = arith.addf %mul3A_362, %mul3A_363 : vector<16xf32>
        %reduce_sum3A_365 = arith.constant true
        %reduce_sum3A_366 = vector.broadcast %reduce_sum3A_365 : i1 to vector<16xi1>
        %reduce_sum3A_367 = tpu.scan <sum>, %add3A_364 masked %reduce_sum3A_366 : vector<16xf32>, vector<16xi1> -> vector<16xf32>
        %reduce_sum3A_368 = vector.extract %reduce_sum3A_367[15] : f32 from vector<16xf32>
        %lt3A_369 = arith.cmpf olt, %reduce_sum3A_368, %select_n3A_345 : f32
        %add3A_370 = arith.constant 999936 : i32
        %add3A_371 = arith.addi %add3A_370, %add3A_349 : i32
        %select_n3A_372 = arith.select %lt3A_369, %add3A_371, %select_n3A_344 : i32
        %select_n3A_373 = arith.select %lt3A_369, %reduce_sum3A_368, %select_n3A_345 : f32
        %mul3A_374 = arith.constant 16 : i32
        %mul3A_375 = arith.muli %scan3A_95, %mul3A_374 : i32
        %add3A_376 = arith.constant 10 : i32
        %add3A_377 = arith.addi %mul3A_375, %add3A_376 : i32
        %get3A_378 = arith.constant 0 : i32
        %get3A_379 = arith.index_cast %get3A_378 : i32 to index
        %get3A_380 = arith.index_cast %add3A_377 : i32 to index
        %get3A_381 = arith.constant 0 : index
        %get3A_382 = tpu.vector_load %arg7[%get3A_379, %get3A_380, %get3A_381] {strides = array<i32>} : memref<2x1008x32xf32, #tpu.memory_space<vmem>>, vector<16xf32>,
        %get3A_383 = arith.constant 0 : i32
        %get3A_384 = arith.index_cast %get3A_383 : i32 to index
        %get3A_385 = arith.index_cast %add3A_377 : i32 to index
        %get3A_386 = arith.constant 16 : index
        %get3A_387 = tpu.vector_load %arg7[%get3A_384, %get3A_385, %get3A_386] {strides = array<i32>} : memref<2x1008x32xf32, #tpu.memory_space<vmem>>, vector<16xf32>,
        %sub3A_388 = arith.subf %get3A_382, %get3A_15 : vector<16xf32>
        %sub3A_389 = arith.subf %get3A_387, %get3A_17 : vector<16xf32>
        %mul3A_390 = arith.mulf %sub3A_388, %sub3A_388 : vector<16xf32>
        %mul3A_391 = arith.mulf %sub3A_389, %sub3A_389 : vector<16xf32>
        %add3A_392 = arith.addf %mul3A_390, %mul3A_391 : vector<16xf32>
        %reduce_sum3A_393 = arith.constant true
        %reduce_sum3A_394 = vector.broadcast %reduce_sum3A_393 : i1 to vector<16xi1>
        %reduce_sum3A_395 = tpu.scan <sum>, %add3A_392 masked %reduce_sum3A_394 : vector<16xf32>, vector<16xi1> -> vector<16xf32>
        %reduce_sum3A_396 = vector.extract %reduce_sum3A_395[15] : f32 from vector<16xf32>
        %lt3A_397 = arith.cmpf olt, %reduce_sum3A_396, %select_n3A_373 : f32
        %add3A_398 = arith.constant 999936 : i32
        %add3A_399 = arith.addi %add3A_398, %add3A_377 : i32
        %select_n3A_400 = arith.select %lt3A_397, %add3A_399, %select_n3A_372 : i32
        %select_n3A_401 = arith.select %lt3A_397, %reduce_sum3A_396, %select_n3A_373 : f32
        %mul3A_402 = arith.constant 16 : i32
        %mul3A_403 = arith.muli %scan3A_95, %mul3A_402 : i32
        %add3A_404 = arith.constant 11 : i32
        %add3A_405 = arith.addi %mul3A_403, %add3A_404 : i32
        %get3A_406 = arith.constant 0 : i32
        %get3A_407 = arith.index_cast %get3A_406 : i32 to index
        %get3A_408 = arith.index_cast %add3A_405 : i32 to index
        %get3A_409 = arith.constant 0 : index
        %get3A_410 = tpu.vector_load %arg7[%get3A_407, %get3A_408, %get3A_409] {strides = array<i32>} : memref<2x1008x32xf32, #tpu.memory_space<vmem>>, vector<16xf32>,
        %get3A_411 = arith.constant 0 : i32
        %get3A_412 = arith.index_cast %get3A_411 : i32 to index
        %get3A_413 = arith.index_cast %add3A_405 : i32 to index
        %get3A_414 = arith.constant 16 : index
        %get3A_415 = tpu.vector_load %arg7[%get3A_412, %get3A_413, %get3A_414] {strides = array<i32>} : memref<2x1008x32xf32, #tpu.memory_space<vmem>>, vector<16xf32>,
        %sub3A_416 = arith.subf %get3A_410, %get3A_15 : vector<16xf32>
        %sub3A_417 = arith.subf %get3A_415, %get3A_17 : vector<16xf32>
        %mul3A_418 = arith.mulf %sub3A_416, %sub3A_416 : vector<16xf32>
        %mul3A_419 = arith.mulf %sub3A_417, %sub3A_417 : vector<16xf32>
        %add3A_420 = arith.addf %mul3A_418, %mul3A_419 : vector<16xf32>
        %reduce_sum3A_421 = arith.constant true
        %reduce_sum3A_422 = vector.broadcast %reduce_sum3A_421 : i1 to vector<16xi1>
        %reduce_sum3A_423 = tpu.scan <sum>, %add3A_420 masked %reduce_sum3A_422 : vector<16xf32>, vector<16xi1> -> vector<16xf32>
        %reduce_sum3A_424 = vector.extract %reduce_sum3A_423[15] : f32 from vector<16xf32>
        %lt3A_425 = arith.cmpf olt, %reduce_sum3A_424, %select_n3A_401 : f32
        %add3A_426 = arith.constant 999936 : i32
        %add3A_427 = arith.addi %add3A_426, %add3A_405 : i32
        %select_n3A_428 = arith.select %lt3A_425, %add3A_427, %select_n3A_400 : i32
        %select_n3A_429 = arith.select %lt3A_425, %reduce_sum3A_424, %select_n3A_401 : f32
        %mul3A_430 = arith.constant 16 : i32
        %mul3A_431 = arith.muli %scan3A_95, %mul3A_430 : i32
        %add3A_432 = arith.constant 12 : i32
        %add3A_433 = arith.addi %mul3A_431, %add3A_432 : i32
        %get3A_434 = arith.constant 0 : i32
        %get3A_435 = arith.index_cast %get3A_434 : i32 to index
        %get3A_436 = arith.index_cast %add3A_433 : i32 to index
        %get3A_437 = arith.constant 0 : index
        %get3A_438 = tpu.vector_load %arg7[%get3A_435, %get3A_436, %get3A_437] {strides = array<i32>} : memref<2x1008x32xf32, #tpu.memory_space<vmem>>, vector<16xf32>,
        %get3A_439 = arith.constant 0 : i32
        %get3A_440 = arith.index_cast %get3A_439 : i32 to index
        %get3A_441 = arith.index_cast %add3A_433 : i32 to index
        %get3A_442 = arith.constant 16 : index
        %get3A_443 = tpu.vector_load %arg7[%get3A_440, %get3A_441, %get3A_442] {strides = array<i32>} : memref<2x1008x32xf32, #tpu.memory_space<vmem>>, vector<16xf32>,
        %sub3A_444 = arith.subf %get3A_438, %get3A_15 : vector<16xf32>
        %sub3A_445 = arith.subf %get3A_443, %get3A_17 : vector<16xf32>
        %mul3A_446 = arith.mulf %sub3A_444, %sub3A_444 : vector<16xf32>
        %mul3A_447 = arith.mulf %sub3A_445, %sub3A_445 : vector<16xf32>
        %add3A_448 = arith.addf %mul3A_446, %mul3A_447 : vector<16xf32>
        %reduce_sum3A_449 = arith.constant true
        %reduce_sum3A_450 = vector.broadcast %reduce_sum3A_449 : i1 to vector<16xi1>
        %reduce_sum3A_451 = tpu.scan <sum>, %add3A_448 masked %reduce_sum3A_450 : vector<16xf32>, vector<16xi1> -> vector<16xf32>
        %reduce_sum3A_452 = vector.extract %reduce_sum3A_451[15] : f32 from vector<16xf32>
        %lt3A_453 = arith.cmpf olt, %reduce_sum3A_452, %select_n3A_429 : f32
        %add3A_454 = arith.constant 999936 : i32
        %add3A_455 = arith.addi %add3A_454, %add3A_433 : i32
        %select_n3A_456 = arith.select %lt3A_453, %add3A_455, %select_n3A_428 : i32
        %select_n3A_457 = arith.select %lt3A_453, %reduce_sum3A_452, %select_n3A_429 : f32
        %mul3A_458 = arith.constant 16 : i32
        %mul3A_459 = arith.muli %scan3A_95, %mul3A_458 : i32
        %add3A_460 = arith.constant 13 : i32
        %add3A_461 = arith.addi %mul3A_459, %add3A_460 : i32
        %get3A_462 = arith.constant 0 : i32
        %get3A_463 = arith.index_cast %get3A_462 : i32 to index
        %get3A_464 = arith.index_cast %add3A_461 : i32 to index
        %get3A_465 = arith.constant 0 : index
        %get3A_466 = tpu.vector_load %arg7[%get3A_463, %get3A_464, %get3A_465] {strides = array<i32>} : memref<2x1008x32xf32, #tpu.memory_space<vmem>>, vector<16xf32>,
        %get3A_467 = arith.constant 0 : i32
        %get3A_468 = arith.index_cast %get3A_467 : i32 to index
        %get3A_469 = arith.index_cast %add3A_461 : i32 to index
        %get3A_470 = arith.constant 16 : index
        %get3A_471 = tpu.vector_load %arg7[%get3A_468, %get3A_469, %get3A_470] {strides = array<i32>} : memref<2x1008x32xf32, #tpu.memory_space<vmem>>, vector<16xf32>,
        %sub3A_472 = arith.subf %get3A_466, %get3A_15 : vector<16xf32>
        %sub3A_473 = arith.subf %get3A_471, %get3A_17 : vector<16xf32>
        %mul3A_474 = arith.mulf %sub3A_472, %sub3A_472 : vector<16xf32>
        %mul3A_475 = arith.mulf %sub3A_473, %sub3A_473 : vector<16xf32>
        %add3A_476 = arith.addf %mul3A_474, %mul3A_475 : vector<16xf32>
        %reduce_sum3A_477 = arith.constant true
        %reduce_sum3A_478 = vector.broadcast %reduce_sum3A_477 : i1 to vector<16xi1>
        %reduce_sum3A_479 = tpu.scan <sum>, %add3A_476 masked %reduce_sum3A_478 : vector<16xf32>, vector<16xi1> -> vector<16xf32>
        %reduce_sum3A_480 = vector.extract %reduce_sum3A_479[15] : f32 from vector<16xf32>
        %lt3A_481 = arith.cmpf olt, %reduce_sum3A_480, %select_n3A_457 : f32
        %add3A_482 = arith.constant 999936 : i32
        %add3A_483 = arith.addi %add3A_482, %add3A_461 : i32
        %select_n3A_484 = arith.select %lt3A_481, %add3A_483, %select_n3A_456 : i32
        %select_n3A_485 = arith.select %lt3A_481, %reduce_sum3A_480, %select_n3A_457 : f32
        %mul3A_486 = arith.constant 16 : i32
        %mul3A_487 = arith.muli %scan3A_95, %mul3A_486 : i32
        %add3A_488 = arith.constant 14 : i32
        %add3A_489 = arith.addi %mul3A_487, %add3A_488 : i32
        %get3A_490 = arith.constant 0 : i32
        %get3A_491 = arith.index_cast %get3A_490 : i32 to index
        %get3A_492 = arith.index_cast %add3A_489 : i32 to index
        %get3A_493 = arith.constant 0 : index
        %get3A_494 = tpu.vector_load %arg7[%get3A_491, %get3A_492, %get3A_493] {strides = array<i32>} : memref<2x1008x32xf32, #tpu.memory_space<vmem>>, vector<16xf32>,
        %get3A_495 = arith.constant 0 : i32
        %get3A_496 = arith.index_cast %get3A_495 : i32 to index
        %get3A_497 = arith.index_cast %add3A_489 : i32 to index
        %get3A_498 = arith.constant 16 : index
        %get3A_499 = tpu.vector_load %arg7[%get3A_496, %get3A_497, %get3A_498] {strides = array<i32>} : memref<2x1008x32xf32, #tpu.memory_space<vmem>>, vector<16xf32>,
        %sub3A_500 = arith.subf %get3A_494, %get3A_15 : vector<16xf32>
        %sub3A_501 = arith.subf %get3A_499, %get3A_17 : vector<16xf32>
        %mul3A_502 = arith.mulf %sub3A_500, %sub3A_500 : vector<16xf32>
        %mul3A_503 = arith.mulf %sub3A_501, %sub3A_501 : vector<16xf32>
        %add3A_504 = arith.addf %mul3A_502, %mul3A_503 : vector<16xf32>
        %reduce_sum3A_505 = arith.constant true
        %reduce_sum3A_506 = vector.broadcast %reduce_sum3A_505 : i1 to vector<16xi1>
        %reduce_sum3A_507 = tpu.scan <sum>, %add3A_504 masked %reduce_sum3A_506 : vector<16xf32>, vector<16xi1> -> vector<16xf32>
        %reduce_sum3A_508 = vector.extract %reduce_sum3A_507[15] : f32 from vector<16xf32>
        %lt3A_509 = arith.cmpf olt, %reduce_sum3A_508, %select_n3A_485 : f32
        %add3A_510 = arith.constant 999936 : i32
        %add3A_511 = arith.addi %add3A_510, %add3A_489 : i32
        %select_n3A_512 = arith.select %lt3A_509, %add3A_511, %select_n3A_484 : i32
        %select_n3A_513 = arith.select %lt3A_509, %reduce_sum3A_508, %select_n3A_485 : f32
        %mul3A_514 = arith.constant 16 : i32
        %mul3A_515 = arith.muli %scan3A_95, %mul3A_514 : i32
        %add3A_516 = arith.constant 15 : i32
        %add3A_517 = arith.addi %mul3A_515, %add3A_516 : i32
        %get3A_518 = arith.constant 0 : i32
        %get3A_519 = arith.index_cast %get3A_518 : i32 to index
        %get3A_520 = arith.index_cast %add3A_517 : i32 to index
        %get3A_521 = arith.constant 0 : index
        %get3A_522 = tpu.vector_load %arg7[%get3A_519, %get3A_520, %get3A_521] {strides = array<i32>} : memref<2x1008x32xf32, #tpu.memory_space<vmem>>, vector<16xf32>,
        %get3A_523 = arith.constant 0 : i32
        %get3A_524 = arith.index_cast %get3A_523 : i32 to index
        %get3A_525 = arith.index_cast %add3A_517 : i32 to index
        %get3A_526 = arith.constant 16 : index
        %get3A_527 = tpu.vector_load %arg7[%get3A_524, %get3A_525, %get3A_526] {strides = array<i32>} : memref<2x1008x32xf32, #tpu.memory_space<vmem>>, vector<16xf32>,
        %sub3A_528 = arith.subf %get3A_522, %get3A_15 : vector<16xf32>
        %sub3A_529 = arith.subf %get3A_527, %get3A_17 : vector<16xf32>
        %mul3A_530 = arith.mulf %sub3A_528, %sub3A_528 : vector<16xf32>
        %mul3A_531 = arith.mulf %sub3A_529, %sub3A_529 : vector<16xf32>
        %add3A_532 = arith.addf %mul3A_530, %mul3A_531 : vector<16xf32>
        %reduce_sum3A_533 = arith.constant true
        %reduce_sum3A_534 = vector.broadcast %reduce_sum3A_533 : i1 to vector<16xi1>
        %reduce_sum3A_535 = tpu.scan <sum>, %add3A_532 masked %reduce_sum3A_534 : vector<16xf32>, vector<16xi1> -> vector<16xf32>
        %reduce_sum3A_536 = vector.extract %reduce_sum3A_535[15] : f32 from vector<16xf32>
        %lt3A_537 = arith.cmpf olt, %reduce_sum3A_536, %select_n3A_513 : f32
        %add3A_538 = arith.constant 999936 : i32
        %add3A_539 = arith.addi %add3A_538, %add3A_517 : i32
        %select_n3A_540 = arith.select %lt3A_537, %add3A_539, %select_n3A_512 : i32
        %select_n3A_541 = arith.select %lt3A_537, %reduce_sum3A_536, %select_n3A_513 : f32
        scf.yield %select_n3A_541, %select_n3A_540 : f32, i32
      }
      %scan3A_94 = arith.constant 4 : i32
      scf.yield %scan3A_93#0, %scan3A_93#1 : f32, i32
    } else {
      scf.yield %scan3A_39#0, %scan3A_39#1 : f32, i32
    }
    %broadcast_in_dim3A = vector.broadcast %cond3A_48#0 : f32 to vector<16xf32>
    %swap3A = arith.constant 0 : index
    %swap3A_49 = tpu.vector_load %arg8[%swap3A] {strides = array<i32>} : memref<16xf32, #tpu.memory_space<vmem>>, vector<16xf32>,
    tpu.vector_store %arg8[%swap3A], %broadcast_in_dim3A {strides = array<i32>} : memref<16xf32, #tpu.memory_space<vmem>>, vector<16xf32>,
    %broadcast_in_dim3A_50 = vector.broadcast %cond3A_48#1 : i32 to vector<16xi32>
    %swap3A_51 = arith.constant 0 : index
    %swap3A_52 = tpu.vector_load %arg9[%swap3A_51] {strides = array<i32>} : memref<16xi32, #tpu.memory_space<vmem>>, vector<16xi32>,
    tpu.vector_store %arg9[%swap3A_51], %broadcast_in_dim3A_50 {strides = array<i32>} : memref<16xi32, #tpu.memory_space<vmem>>, vector<16xi32>,
    %dma_start3A_53 = arith.constant 0 : i32
    %dma_start3A_54 = arith.constant 0 : i32
    %dma_start3A_55 = tpu.memref_slice %arg4[%add3A, %dma_start3A_54] : memref<32x16xf32, #tpu.memory_space<hbm>> -> memref<1x16xf32, #tpu.memory_space<hbm>>
    %dma_start3A_56 = tpu.memref_squeeze %dma_start3A_55 : memref<1x16xf32, #tpu.memory_space<hbm>> -> memref<16xf32, #tpu.memory_space<hbm>>
    %dma_start3A_57 = tpu.memref_slice %arg10[%dma_start3A_53] : memref<2x!tpu.dma_semaphore, #tpu.memory_space<semaphore_mem>> -> memref<1x!tpu.dma_semaphore, #tpu.memory_space<semaphore_mem>>
    %dma_start3A_58 = tpu.memref_squeeze %dma_start3A_57 : memref<1x!tpu.dma_semaphore, #tpu.memory_space<semaphore_mem>> -> memref<!tpu.dma_semaphore, #tpu.memory_space<semaphore_mem>>
    %dma_start3A_59 = arith.constant 0 : i32
    %dma_start3A_60 = tpu.memref_slice %arg4[%add3A, %dma_start3A_59] : memref<32x16xf32, #tpu.memory_space<hbm>> -> memref<1x16xf32, #tpu.memory_space<hbm>>
    %dma_start3A_61 = tpu.memref_squeeze %dma_start3A_60 : memref<1x16xf32, #tpu.memory_space<hbm>> -> memref<16xf32, #tpu.memory_space<hbm>>
    tpu.enqueue_dma source(%arg8 : memref<16xf32, #tpu.memory_space<vmem>>) target(%dma_start3A_61 : memref<16xf32, #tpu.memory_space<hbm>>) target_semaphore(%dma_start3A_58 : memref<!tpu.dma_semaphore, #tpu.memory_space<semaphore_mem>>)
    %dma_wait3A_62 = arith.constant 0 : i32
    %dma_wait3A_63 = arith.constant 0 : i32
    %dma_wait3A_64 = tpu.memref_slice %arg4[%add3A, %dma_wait3A_63] : memref<32x16xf32, #tpu.memory_space<hbm>> -> memref<1x16xf32, #tpu.memory_space<hbm>>
    %dma_wait3A_65 = tpu.memref_squeeze %dma_wait3A_64 : memref<1x16xf32, #tpu.memory_space<hbm>> -> memref<16xf32, #tpu.memory_space<hbm>>
    %dma_wait3A_66 = tpu.memref_slice %arg10[%dma_wait3A_62] : memref<2x!tpu.dma_semaphore, #tpu.memory_space<semaphore_mem>> -> memref<1x!tpu.dma_semaphore, #tpu.memory_space<semaphore_mem>>
    %dma_wait3A_67 = tpu.memref_squeeze %dma_wait3A_66 : memref<1x!tpu.dma_semaphore, #tpu.memory_space<semaphore_mem>> -> memref<!tpu.dma_semaphore, #tpu.memory_space<semaphore_mem>>
    %dma_wait3A_68 = arith.constant 0 : i32
    %dma_wait3A_69 = tpu.memref_slice %arg4[%add3A, %dma_wait3A_68] : memref<32x16xf32, #tpu.memory_space<hbm>> -> memref<1x16xf32, #tpu.memory_space<hbm>>
    %dma_wait3A_70 = tpu.memref_squeeze %dma_wait3A_69 : memref<1x16xf32, #tpu.memory_space<hbm>> -> memref<16xf32, #tpu.memory_space<hbm>>
    tpu.wait_dma2 semaphore(%dma_wait3A_67 : memref<!tpu.dma_semaphore, #tpu.memory_space<semaphore_mem>>) src(%arg8 : memref<16xf32, #tpu.memory_space<vmem>>) dst(%dma_wait3A_70 : memref<16xf32, #tpu.memory_space<hbm>>)
    %dma_start3A_71 = arith.constant 0 : i32
    %dma_start3A_72 = arith.constant 0 : i32
    %dma_start3A_73 = tpu.memref_slice %arg5[%add3A, %dma_start3A_72] : memref<32x16xi32, #tpu.memory_space<hbm>> -> memref<1x16xi32, #tpu.memory_space<hbm>>
    %dma_start3A_74 = tpu.memref_squeeze %dma_start3A_73 : memref<1x16xi32, #tpu.memory_space<hbm>> -> memref<16xi32, #tpu.memory_space<hbm>>
    %dma_start3A_75 = tpu.memref_slice %arg10[%dma_start3A_71] : memref<2x!tpu.dma_semaphore, #tpu.memory_space<semaphore_mem>> -> memref<1x!tpu.dma_semaphore, #tpu.memory_space<semaphore_mem>>
    %dma_start3A_76 = tpu.memref_squeeze %dma_start3A_75 : memref<1x!tpu.dma_semaphore, #tpu.memory_space<semaphore_mem>> -> memref<!tpu.dma_semaphore, #tpu.memory_space<semaphore_mem>>
    %dma_start3A_77 = arith.constant 0 : i32
    %dma_start3A_78 = tpu.memref_slice %arg5[%add3A, %dma_start3A_77] : memref<32x16xi32, #tpu.memory_space<hbm>> -> memref<1x16xi32, #tpu.memory_space<hbm>>
    %dma_start3A_79 = tpu.memref_squeeze %dma_start3A_78 : memref<1x16xi32, #tpu.memory_space<hbm>> -> memref<16xi32, #tpu.memory_space<hbm>>
    tpu.enqueue_dma source(%arg9 : memref<16xi32, #tpu.memory_space<vmem>>) target(%dma_start3A_79 : memref<16xi32, #tpu.memory_space<hbm>>) target_semaphore(%dma_start3A_76 : memref<!tpu.dma_semaphore, #tpu.memory_space<semaphore_mem>>)
    %dma_wait3A_80 = arith.constant 0 : i32
    %dma_wait3A_81 = arith.constant 0 : i32
    %dma_wait3A_82 = tpu.memref_slice %arg5[%add3A, %dma_wait3A_81] : memref<32x16xi32, #tpu.memory_space<hbm>> -> memref<1x16xi32, #tpu.memory_space<hbm>>
    %dma_wait3A_83 = tpu.memref_squeeze %dma_wait3A_82 : memref<1x16xi32, #tpu.memory_space<hbm>> -> memref<16xi32, #tpu.memory_space<hbm>>
    %dma_wait3A_84 = tpu.memref_slice %arg10[%dma_wait3A_80] : memref<2x!tpu.dma_semaphore, #tpu.memory_space<semaphore_mem>> -> memref<1x!tpu.dma_semaphore, #tpu.memory_space<semaphore_mem>>
    %dma_wait3A_85 = tpu.memref_squeeze %dma_wait3A_84 : memref<1x!tpu.dma_semaphore, #tpu.memory_space<semaphore_mem>> -> memref<!tpu.dma_semaphore, #tpu.memory_space<semaphore_mem>>
    %dma_wait3A_86 = arith.constant 0 : i32
    %dma_wait3A_87 = tpu.memref_slice %arg5[%add3A, %dma_wait3A_86] : memref<32x16xi32, #tpu.memory_space<hbm>> -> memref<1x16xi32, #tpu.memory_space<hbm>>
    %dma_wait3A_88 = tpu.memref_squeeze %dma_wait3A_87 : memref<1x16xi32, #tpu.memory_space<hbm>> -> memref<16xi32, #tpu.memory_space<hbm>>
    tpu.wait_dma2 semaphore(%dma_wait3A_85 : memref<!tpu.dma_semaphore, #tpu.memory_space<semaphore_mem>>) src(%arg9 : memref<16xi32, #tpu.memory_space<vmem>>) dst(%dma_wait3A_88 : memref<16xi32, #tpu.memory_space<hbm>>)
    return
  }
}

module attributes {stable_mosaic.version = 14 : i64} {
  func.func @_merge_tc(%arg0: memref<32x16xf32, #tpu.memory_space<vmem>>, %arg1: memref<32x16xi32, #tpu.memory_space<vmem>>, %arg2: memref<1000000x32xf32, #tpu.memory_space<any>>, %arg3: memref<1x32xf32, #tpu.memory_space<vmem>>, %arg4: memref<!tpu.dma_semaphore, #tpu.memory_space<semaphore_mem>>) attributes {dimension_semantics = [], scalar_prefetch = 0 : i64, scratch_operands = 1 : i64, tpu.core_type = #tpu.core_type<tc>} {
    %get3A = arith.constant 0 : index
    %get3A_0 = arith.constant 0 : index
    %get3A_1 = vector.load %arg0[%get3A, %get3A_0] : memref<32x16xf32, #tpu.memory_space<vmem>>, vector<32x1xf32>
    %get3A_2 = arith.constant 0 : index
    %get3A_3 = arith.constant 0 : index
    %get3A_4 = vector.load %arg1[%get3A_2, %get3A_3] : memref<32x16xi32, #tpu.memory_space<vmem>>, vector<32x1xi32>
    %reduce_min3A = vector.shape_cast %get3A_1 : vector<32x1xf32> to vector<1x32x1xf32>
    %reduce_min3A_5 = arith.constant dense<0x7F800000> : vector<1xf32>
    %reduce_min3A_6 = vector.multi_reduction <minimumf>, %reduce_min3A, %reduce_min3A_5 [1, 2] : vector<1x32x1xf32> to vector<1xf32>
    %reduce_min3A_7 = vector.shape_cast %reduce_min3A_6 : vector<1xf32> to vector<1x1x1xf32>
    %reduce_min3A_8 = vector.extract %reduce_min3A_7[0, 0, 0] : f32 from vector<1x1x1xf32>
    %eq3A = vector.broadcast %reduce_min3A_8 : f32 to vector<32x1xf32>
    %eq3A_9 = arith.cmpf oeq, %get3A_1, %eq3A : vector<32x1xf32>
    %jit3A = arith.constant 1073741824 : i32
    %broadcast_in_dim3A = vector.broadcast %jit3A : i32 to vector<32x1xi32>
    %select_n3A = arith.select %eq3A_9, %get3A_4, %broadcast_in_dim3A : vector<32x1xi1>, vector<32x1xi32>
    %reduce_min3A_10 = vector.shape_cast %select_n3A : vector<32x1xi32> to vector<1x32x1xi32>
    %reduce_min3A_11 = arith.constant dense<2147483647> : vector<1xi32>
    %reduce_min3A_12 = vector.multi_reduction <minsi>, %reduce_min3A_10, %reduce_min3A_11 [1, 2] : vector<1x32x1xi32> to vector<1xi32>
    %reduce_min3A_13 = vector.shape_cast %reduce_min3A_12 : vector<1xi32> to vector<1x1x1xi32>
    %reduce_min3A_14 = vector.extract %reduce_min3A_13[0, 0, 0] : i32 from vector<1x1x1xi32>
    %dma_start3A = arith.constant 0 : i32
    %dma_start3A_15 = tpu.memref_slice %arg2[%reduce_min3A_14, %dma_start3A] : memref<1000000x32xf32, #tpu.memory_space<any>> -> memref<1x32xf32, #tpu.memory_space<any>>
    tpu.enqueue_dma source(%dma_start3A_15 : memref<1x32xf32, #tpu.memory_space<any>>) target(%arg3 : memref<1x32xf32, #tpu.memory_space<vmem>>) target_semaphore(%arg4 : memref<!tpu.dma_semaphore, #tpu.memory_space<semaphore_mem>>)
    %dma_wait3A = arith.constant 0 : i32
    %dma_wait3A_16 = tpu.memref_slice %arg2[%reduce_min3A_14, %dma_wait3A] : memref<1000000x32xf32, #tpu.memory_space<any>> -> memref<1x32xf32, #tpu.memory_space<any>>
    tpu.wait_dma2 semaphore(%arg4 : memref<!tpu.dma_semaphore, #tpu.memory_space<semaphore_mem>>) src(%dma_wait3A_16 : memref<1x32xf32, #tpu.memory_space<any>>) dst(%arg3 : memref<1x32xf32, #tpu.memory_space<vmem>>)
    return
  }
}

</mosaic_0001>

<sc_bundles>
// kernel: kernel.4.cloned.1.call-start
scs
__scs_entry_jumppad:
0x0: {  	(pc) =	sbr.rel $0x88, $3  }
0x1: {  	(tag) =	ssettag $0x0;
	lr =	simm.s32 $0x1  }
0x2: {  	[smem:$0x3F9E] =	sst lr;
	_ =	strace $0xD0000000  }
0x3: {  	_ = 	snop  }
0x4: {  	_ = 	snop  }
0x5: {  	_ = 	snop  }
0x6: {  	_ = 	snop  }
0x7: {  	_ = 	snop  }
__scs_overlays_trampoline_lowered:
0x8: {  	[smem:$0x3FAD] =	sst s0  }
0x9: {  	[smem:$0x3FAE] =	sst s1  }
0xa: {  	[smem:$0x3FAF] =	sst s2  }
0xb: {  	[smem:$0x3FB0] =	sst s3  }
0xc: {  	[smem:$0x3FB1] =	sst s4  }
0xd: {  	[smem:$0x3FB2] =	sst s5  }
0xe: {  	[smem:$0x3FB3] =	sst s6  }
0xf: {  	[smem:$0x3FB4] =	sst s7  }
0x10: {  	[smem:$0x3FB5] =	sst s8  }
0x11: {  	[smem:$0x3FB6] =	sst s9;
	s0 =	simm.s32 @!p0 $0x0  }
0x12: {  	s1 =	sld [smem:$0x3F9C];
	s0 =	simm.s32 @p0 $0x1  }
0x13: {  	[smem:$0x3FB7] =	sst s0;
	s0 =	simm.s32 @!p1 $0x0  }
0x14: {  	s2 =	sld [smem:$0x3F9B];
	s0 =	simm.s32 @p1 $0x1  }
0x15: {  	[smem:$0x3FB8] =	sst s0;
	s0 =	simm.s32 @!p2 $0x0  }
0x16: {  	s3 =	sld [smem:$0x3FDB];
	s0 =	simm.s32 @p2 $0x1  }
0x17: {  	s4 =	simm.s32 $0x1BF5;
	[smem:$0x3FBA] =	sst s0  }
0x18: {  	s0 =	sld [smem:$0x3F9D];
	_ =	swait.ge [sflag:s4], $0x0  }
0x19: {  	s7 =	sld [smem:$0x3F9E]  }
0x1a: {  	s8 =	sadd.s32 $0xFFFFE003, lr  }
0x1b: {  	s9 =	sadd.s32 $0xFFFFFEF7, lr;
	s5 =	simm.s32 $0xFFFFFFFF;
	p2 =	slt.u32 s8, $0xFFFFF086  }
0x1c: {  	p1 =	slt.u32 s9, $0xF7A;
	s5 =	simm.s32 @!p2 $0x0  }
0x1d: {  	s5 =	simm.s32 @p1 $0x1;
	p0 =	seq.s32 s7, s2  }
0x1e: {  	s7 =	smul.u32 @!p0 $0xF7A, s2;
	p2 =	seq.s32 @!p0 s5, $0x0  }
0x1f: {  	s9 =	smul.u32 $0xF7A, s1;
	s8 =	simm.s32 @!p0 $0x1BF5;
	p2 =	por !p2, p0  }
0x20: {  	[sflag:s8] =	ssyncset.s32 @!p0 $0xFFFFF086;
	s6 =	sadd.s32 @!p0 s3, s7;
	s7 =	simm.s32 @!p0 $0x108  }
0x21: {  	s3 =	sadd.s32 s3, s9;
	s6 =	sadd.s32 @!p0 $0x88, s6;
	s7 =	simm.s32 @p2 $0x1082  }
0x22: {  	[simem:s7], [sflag:s8] =	dma.local @!p0 [hbm:s6], $0xF7A  }
0x23: {  	s9 =	sor.u32 $0xD0000000, s2;
	s6 =	simm.s32 $0x108;
	_ =	swait.ge @!p0 [sflag:s8], $0x0  }
0x24: {  	s3 =	sadd.s32 $0x88, s3;
	s6 =	simm.s32 @!p1 $0x1082;
	[sflag:s4] =	ssyncset.s32 $0xFFFFF086  }
0x25: {  	[simem:s6], [sflag:s4] =	dma.local [hbm:s3], $0xF7A  }
0x26: {  	[smem:$0x3F9E] =	sst s1;
	(tag) =	ssettag s2;
	_ =	strace s9  }
0x27: {  	s1 =	sld [smem:$0x3FAE]  }
0x28: {  	s2 =	sld [smem:$0x3FAF]  }
0x29: {  	s4 =	sld [smem:$0x3FB1]  }
0x2a: {  	p0 =	seq.s32 s5, $0x0;
	s5 =	sld [smem:$0x3FB2]  }
0x2b: {  	s6 =	sld [smem:$0x3FB3]  }
0x2c: {  	s7 =	sld [smem:$0x3FB4]  }
0x2d: {  	s3 =	simm.s32 $0x108;
	s8 =	sld [smem:$0x3FB5]  }
0x2e: {  	s3 =	simm.s32 @!p0 $0x1082;
	s9 =	sld [smem:$0x3FB6]  }
0x2f: {  	lr =	sadd.s32 s0, s3;
	s0 =	sld [smem:$0x3FAD]  }
0x30: {  	s3 =	sld [smem:$0x3FB0]  }
0x31: {  	[smem:$0x3FB9] =	sst s10  }
0x32: {  	s10 =	sld [smem:$0x3FB7];
	_ =	sdelay $0x3  }
0x33: {  	p0 =	seq.s32 s10, $0x1;
	s10 =	sld [smem:$0x3FB9];
	_ =	sdelay $0x3  }
0x34: {  	[smem:$0x3FB9] =	sst s10  }
0x35: {  	s10 =	sld [smem:$0x3FB8];
	_ =	sdelay $0x3  }
0x36: {  	p1 =	seq.s32 s10, $0x1;
	s10 =	sld [smem:$0x3FB9];
	_ =	sdelay $0x3  }
0x37: {  	[smem:$0x3FB9] =	sst s10  }
0x38: {  	s10 =	sld [smem:$0x3FBA]  }
0x39: {  	_ = 	snop;
	(pc) =	sbr.ind lr, $3  }
0x3a: {  	_ = 	snop  }
0x3b: {  	_ = 	snop  }
0x3c: {  	p2 =	seq.s32 s10, $0x1;
	s10 =	sld [smem:$0x3FB9]  }
0x3d: {  	_ =	shalt  }
0x3e: {  	_ =	shalt  }
0x3f: {  	_ =	shalt  }
0x40: {  	_ =	shalt  }
0x41: {  	_ =	shalt  }
0x42: {  	_ =	shalt  }
0x43: {  	_ =	shalt  }
0x44: {  	_ =	shalt  }
0x45: {  	_ =	shalt  }
0x46: {  	_ =	shalt  }
0x47: {  	_ =	shalt  }
0x48: {  	_ =	shalt  }
0x49: {  	_ =	shalt  }
0x4a: {  	_ =	shalt  }
0x4b: {  	_ =	shalt  }
0x4c: {  	_ =	shalt  }
0x4d: {  	_ =	shalt  }
0x4e: {  	_ =	shalt  }
0x4f: {  	_ =	shalt  }
0x50: {  	_ =	shalt  }
0x51: {  	_ =	shalt  }
0x52: {  	_ =	shalt  }
0x53: {  	_ =	shalt  }
0x54: {  	_ =	shalt  }
0x55: {  	_ =	shalt  }
0x56: {  	_ =	shalt  }
0x57: {  	_ =	shalt  }
0x58: {  	_ =	shalt  }
0x59: {  	_ =	shalt  }
0x5a: {  	_ =	shalt  }
0x5b: {  	_ =	shalt  }
0x5c: {  	_ =	shalt  }
0x5d: {  	_ =	shalt  }
0x5e: {  	_ =	shalt  }
0x5f: {  	_ =	shalt  }
0x60: {  	_ =	shalt  }
0x61: {  	_ =	shalt  }
0x62: {  	_ =	shalt  }
0x63: {  	_ =	shalt  }
0x64: {  	_ =	shalt  }
0x65: {  	_ =	shalt  }
0x66: {  	_ =	shalt  }
0x67: {  	_ =	shalt  }
0x68: {  	_ =	shalt  }
0x69: {  	_ =	shalt  }
0x6a: {  	_ =	shalt  }
0x6b: {  	_ =	shalt  }
0x6c: {  	_ =	shalt  }
0x6d: {  	_ =	shalt  }
0x6e: {  	_ =	shalt  }
0x6f: {  	_ =	shalt  }
0x70: {  	_ =	shalt  }
0x71: {  	_ =	shalt  }
0x72: {  	_ =	shalt  }
0x73: {  	_ =	shalt  }
0x74: {  	_ =	shalt  }
0x75: {  	_ =	shalt  }
0x76: {  	_ =	shalt  }
0x77: {  	_ =	shalt  }
0x78: {  	_ =	shalt  }
0x79: {  	_ =	shalt  }
0x7a: {  	_ =	shalt  }
0x7b: {  	_ =	shalt  }
0x7c: {  	_ =	shalt  }
0x7d: {  	_ =	shalt  }
0x7e: {  	_ =	shalt  }
0x7f: {  	_ =	shalt  }
0x80: {  	_ =	shalt  }
0x81: {  	_ =	shalt  }
0x82: {  	_ =	shalt  }
0x83: {  	_ =	shalt  }
0x84: {  	_ =	shalt  }
0x85: {  	_ =	shalt  }
0x86: {  	_ =	shalt  }
0x87: {  	_ =	shalt  }
.Lfunc_end0:
.L_simem_size_0:
called_computation_lowered:
.L_overlay_start_0:
0x88: {  	s2 =	sld [smem:$0x3FD9]  }
0x89: {  	s3 =	sld [smem:$0x3FFE];
	_ =	sdelay $0x1  }
0x8a: {  	s1 =	srdreg.scid  }
0x8b: {  	s0 =	sand.u32 $0x1, s1  }
0x8c: {  	s17 =	sshll.u32 s0, $0xA;
	s2 =	sadd.s32 s3, s2  }
0x8d: {  	s2 =	sadd.s32 s2, s17  }
0x8e: {  	[smem:$0x3FC5] =	sst s2  }
0x8f: {  	_ = 	snop  }
0x90: {  	s2 =	sld [smem:$0x3FC9];
	(tm) =	ssettm $0x1  }
0x91: {  	s18 =	sld [smem:$0x3FFB];
	_ =	sdelay $0x3  }
0x92: {  	_ =	strace s18  }
0x93: {  	s3 =	sld [smem:$0x3FFC];
	_ =	sdelay $0x3  }
0x94: {  	_ =	strace s3  }
0x95: {  	s3 =	sld [smem:$0x3FFD];
	_ =	sdelay $0x3  }
0x96: {  	_ =	strace s3  }
0x97: {  	_ =	strace $0x8FFFFFFF  }
0x98: {  	s19 =	sld [smem:$0x3FDB];
	_ =	sdelay $0x1  }
0x99: {  	s4 =	simm.s32 $_scs_section_size  }
0x9a: {  	s5 =	simm.s32 $_size__tile_overlayer_lowered;
	s6 =	simm.s32 $_tile_overlayer_lowered  }
0x9b: {  	s22 =	simm.s32 $0x1BFF;
	s21 =	sshll.u32 s6, $0x1;
	s3 =	sadd.s32 s4, s19  }
0x9c: {  	s7 =	simm.s32 $0x0;
	s20 =	sshll.u32 s5, $0x1;
	s5 =	sadd.s32 s21, s3  }
0x9d: {  	[timem:s7], [sflag:s22] =	dma.local [hbm:s5], s20  }
0x9e: {  	_ =	swait.ge [sflag:s22], s20  }
0x9f: {  	s4 =	ssub.s32 $0x0, s20;
	[sflag:s22] =	ssyncset.done $0x0  }
0xa0: {  	[sflag:s22] =	ssyncadd.s32 s4;
	_ =	sdelay $0x1  }
0xa1: {  	s23 =	simm.s32 $0x1B8B  }
0xa2: {  	_ =	swait.ge [sflag:s23], $0x1  }
0xa3: {  	[sflag:s23] =	ssyncset.done $0x0  }
0xa4: {  	s25 =	simm.s32 $0x1B8E;
	s24 =	sld [smem:$0x3FFE];
	[sflag:s23] =	ssyncadd.s32 $0xFFFFFFFF  }
0xa5: {  	s26 =	simm.s32 $execute0_lowered;
	[smem:$0x3FD2] =	sst s25  }
0xa6: {  	s5 =	sshll.u32 s26, $0x1;
	_ =	strace $0x80000046;
	[dreg:$0x1] =	wrdreg $0xFFFFFFFF  }
0xa7: {  	s28 =	simm.s32 $_size_execute0_lowered;
	s3 =	sadd.s32 s3, s5;
	[dreg:$0x0] =	wrdreg $0x0  }
0xa8: {  	s5 =	sshll.u32 s28, $0x1;
	[dreg:$0x2] =	wrdreg s3  }
0xa9: {  	[dreg:$0x3] =	wrdreg s5  }
0xaa: {  	[dreg:$0x4] =	wrdreg $0xC0  }
0xab: {  	_ =	task [dreg:s7], $0x5FFFF  }
0xac: {  	[dreg:$0x1] =	wrdreg $0xFFFFFFFF  }
0xad: {  	[dreg:$0x0] =	wrdreg $0x60  }
0xae: {  	[dreg:$0x2] =	wrdreg s2  }
0xaf: {  	[dreg:$0x3] =	wrdreg s24  }
0xb0: {  	[dreg:$0x4] =	wrdreg $0x9  }
0xb1: {  	_ =	task.clear_ibuf [dreg:s7], $0x5FFFF;
	_ =	strace $0x90000046  }
0xb2: {  	s29 =	simm.s32 $0x9;
	_ =	strace $0x80000048  }
0xb3: {  	_ =	swait.ge [sflag:s29], $0x1  }
0xb4: {  	[sflag:s29] =	ssyncadd.s32 $0xFFFFFFFF  }
0xb5: {  	_ =	strace $0x90000048  }
0xb6: {  	_ =	sfence  }
0xb7: {  	s30 =	sld [smem:$0x0];
	_ =	sdelay $0x2  }
0xb8: {  	s31 =	sshll.u32 s1, $0xD;
	s1 =	sshrl.u32 s1, $0x2  }
0xb9: {  	s3 =	sand.u32 $0x4000, s31;
	s1 =	sadd.s32 s1, s30  }
0xba: {  	s0 =	sor.u32 s3, s0;
	s1 =	sshll.u32 s1, $0x11  }
0xbb: {  	s0 =	sor.u32 s1, s0  }
0xbc: {  	s0 =	sadd.s32 $0x8F2B, s0  }
0xbd: {  	[sflag:s0] =	ssyncadd.remote.s32 $0x1  }
0xbe: {  	_ =	sfence.sel $0xFFFF  }
0xbf: {  	[dreg:$0x0] =	wrdreg $0xFFFFFFFF;
	(pc) =	sbr.abs _section_cstart, $3  }
0xc0: {  	[dreg:$0x1] =	wrdreg $0xFFFFFFFF  }
0xc1: {  	_ =	task.clear_ibuf [dreg:s7], $0x2FFFF;
	_ =	strace $0x9FFFFFFF  }
0xc2: {  	(tm) =	ssettm $0x7FFFFFFF  }
0xc3: {  	_ =	shalt  }
tec
execute0_lowered:
.L_overlay_start_1:
0x0: {  	(tag) =	ssettag $0x1  }
0x1: {  	s1 =	rddreg [dreg:$0x0]  }
0x2: {  	s7 =	rddreg [dreg:$0x1]  }
0x3: {  	s0 =	rddreg [dreg:$0x2];
	s3 =	simm.s32 $0x0;
	s4 =	srdreg.scid  }
0x4: {  	s2 =	stileid.u32;
	s16 =	simm.s32 $0xFC30;
	[smem:$0x7FF] =	sst s3  }
0x5: {  	s8 =	sand.u32 $0x1, s4;
	s30 =	sshll.u32 s2, $0x1;
	s12 =	smul.u32 $0xF420, s2  }
0x6: {  	s4 =	sadd.s32 $0xF42C00, s7;
	s15 =	sor.u32 s8, s30;
	s14 =	smul.u32 $0x7A10, s8  }
0x7: {  	s17 =	simm.s32 $0x0;
	_ =	strace $0x80000047;
	s5 =	smul.u32 $0x7A10, s15  }
0x8: {  	s9 =	ssub.s32 $0x2, s8;
	s6 =	sshll.u32 s15, $0x1;
	s10 =	smul.u32 $0x1E840, s15  }
0x9: {  	s31 =	sshrl.u32 s9, $0x1;
	p0 =	sne.s32 s15, $0x1F;
	s11 =	sadd.s32 s6, s7  }
.Ltmp0:
0xa: {  	s13 =	ssub.s32 s9, s31;
	s7 =	sadd.s32 $0x1313400, s7;
	(pc) =	sbr.rel .LBB2_1-.Ltmp0, $4  }
0xb: {  	s15 =	simm.s32 @!p0 $0x0;
	s6 =	sadd.s32 s4, s10;
	s8 =	sadd.s32 $0xA00, s11  }
0xc: {  	s9 =	sadd.s32 $0x800, s11;
	s10 =	smax.u32 s13, $0x1;
	s11 =	sadd.s32 s14, s12  }
0xd: {  	s12 =	simm.s32 $0x3;
	s13 =	simm.s32 $0x20;
	s15 =	simm.s32 @p0 $0x1  }
0xe: {  	s14 =	simm.s32 $0x1;
	[smem:$0x7FD] =	sst s15;
	s15 =	simm.s32 $0xFC20  }
.LBB2_10:
0xf: {  	v0 =	vmov s18  }
0x10: {  	v63 =	vmov s19;
	[tilespmem:$0xFC20] =	vst v0  }
0x11: {  	[tilespmem:$0xFC30] =	vst v63  }
0x12: {  	[hbm4b:s8+s3] =	stream.linear.scatter [tilespmem:s15], [sflag:$0x1], $0x10, $0x38;
	[tilespmem:$0xFC40] =	vst v63  }
0x13: {  	s17 =	sadd.s32 $0x1, s17;
	_ =	swait.ge [sflag:s14], $0x10  }
0x14: {  	p0 =	sne.s32 s17, s10;
	[sflag:s14] =	ssyncset.done $0x0  }
.Ltmp1:
0x15: {  	[sflag:s14] =	ssyncadd.s32 $0xFFFFFFF0;
	(pc) =	sbr.rel @!p0 .LBB2_11-.Ltmp1, $4  }
0x16: {  	[hbm4b:s9+s3] =	stream.linear.scatter [tilespmem:s16], [sflag:$0x1], $0x10, $0x38;
	[tilespmem:$0xFC40] =	vst v63  }
0x17: {  	_ =	swait.ge [sflag:s14], $0x10  }
0x18: {  	[sflag:s14] =	ssyncset.done $0x0  }
0x19: {  	[sflag:s14] =	ssyncadd.s32 $0xFFFFFFF0  }
.LBB2_1:
0x1a: {  	[tilespmem:s3], [sflag:$0x3] =	stream.linear.gather [hbm4b:s1+s3], $0x20, $0x38;
	[tilespmem:$0xFC40] =	vst v63  }
0x1b: {  	_ =	swait.ge [sflag:s12], $0x20  }
0x1c: {  	[sflag:s12] =	ssyncset.done $0x0  }
0x1d: {  	[sflag:s12] =	ssyncadd.s32 $0xFFFFFFE0  }
0x1e: {  	v0 =	vld [tilespmem:$0x0]  }
0x1f: {  	v1 =	vld [tilespmem:$0x10];
	_ =	sdelay $0x1  }
0x20: {  	s18 =	simm.f32 $+Inf;
	p1 =	por $0x0, $0x0  }
0x21: {  	s20 =	smov.u32 s11;
	s19 =	simm.s32 $0x0;
	s21 =	simm.s32 $0x0  }
0x22: {  	[tilespmem:s13], [sflag:$0x1] =	stream.linear.gather [hbm4b:s6+s3], $0x7E00, $0x38;
	[tilespmem:$0xFC40] =	vst v63  }
.LBB2_3:
0x23: {  	s22 =	smov.u32 s21  }
0x24: {  	s21 =	sadd.s32 $0x1, s21;
	s28 =	simm.s32 @!p1 $0x0;
	p0 =	seq.s32 s22, $0x1E  }
0x25: {  	s26 =	simm.s32 $0x1;
	s28 =	simm.s32 @p1 $0x1;
	s24 =	smul.u32 @!p0 $0x3F0, s21  }
0x26: {  	s26 =	simm.s32 @!p1 $0x0;
	s22 =	sand.u32 $0x1, s22;
	s23 =	sand.u32 @!p0 $0x1, s21  }
0x27: {  	[smem:$0x7FC] =	sst s28;
	s25 =	smul.u32 @!p0 $0x1F800, s23;
	s24 =	sadd.s32 @!p0 s5, s24  }
0x28: {  	s28 =	simm.s32 @!p0 $0x0;
	s31 =	smul.u32 $0x1F800, s26;
	s24 =	sshll.u32 @!p0 s24, $0x2  }
0x29: {  	s22 =	sadd.s32 $0x1, s22;
	s25 =	sshrl.u32 @!p0 s25, $0x2;
	s24 =	sand.u32 @!p0 $0x1FFFFFC0, s24  }
0x2a: {  	s23 =	sadd.s32 @!p0 $0x1, s23;
	s25 =	sor.u32 @!p0 $0x20, s25;
	s24 =	sadd.s32 @!p0 s4, s24  }
0x2b: {  	[tilespmem:s25], [sflag:s23] =	stream.linear.gather @!p0 [hbm4b:s24+s28], $0x7E00, $0x38;
	[tilespmem:$0xFC40] =	vst v63  }
0x2c: {  	_ =	swait.ge [sflag:s22], $0x7E00  }
0x2d: {  	s23 =	sshrl.u32 s31, $0x2;
	[sflag:s22] =	ssyncset.done $0x0  }
0x2e: {  	s23 =	sor.u32 $0x120, s23;
	[sflag:s22] =	ssyncadd.s32 $0xFFFF8200  }
0x2f: {  	v2 =	vld [tilespmem:s23+$0xFFFFFF00]  }
0x30: {  	v3 =	vld [tilespmem:s23+$0xFFFFFF10];
	_ =	sdelay $0x1  }
0x31: {  	v4 =	vld [tilespmem:s23+$0xFFFFFF20]  }
0x32: {  	v5 =	vld [tilespmem:s23+$0xFFFFFF30];
	_ =	sdelay $0x1  }
0x33: {  	v6 =	vld [tilespmem:s23+$0xFFFFFF40];
	v2 =	vsub.f32 v2, v0;
	v3 =	vsub.f32 v3, v1  }
0x34: {  	v7 =	vld [tilespmem:s23+$0xFFFFFF50]  }
0x35: {  	v8 =	vld [tilespmem:s23+$0xFFFFFF60];
	v2 =	vmul.f32 v2, v2;
	v3 =	vmul.f32 v3, v3  }
0x36: {  	v9 =	vld [tilespmem:s23+$0xFFFFFF70];
	v4 =	vsub.f32 v4, v0;
	v5 =	vsub.f32 v5, v1  }
0x37: {  	v2 =	vadd.f32 v3, v2  }
0x38: {  	v3 =	vmul.f32 v4, v4;
	v4 =	vmul.f32 v5, v5;
	v5 =	vsub.f32 v6, v0  }
0x39: {  	v7 =	vsub.f32 v7, v1  }
0x3a: {  	v6 =	vld [tilespmem:s23+$0xFFFFFF80];
	v3 =	vadd.f32 v4, v3;
	v4 =	vmul.f32 v5, v5  }
0x3b: {  	(xrf2) =	vadd.scan.msk.f32 $0xffff, v2;
	v2 =	vld [tilespmem:s23+$0xFFFFFF90];
	v5 =	vmul.f32 v7, v7;
	v7 =	vsub.f32 v8, v0;
	v8 =	vsub.f32 v9, v1;
	_ =	sdelay $0x1  }
0x3c: {  	v9 =	vld [tilespmem:s23+$0xFFFFFFA0];
	(xrf2) =	vadd.scan.msk.f32 $0xffff, v3;
	v3 =	vadd.f32 v5, v4;
	v5 =	vmul.f32 v7, v7;
	v7 =	vmul.f32 v8, v8  }
0x3d: {  	v4 =	vld [tilespmem:s23+$0xFFFFFFB0]  }
0x3e: {  	(xrf2) =	vadd.scan.msk.f32 $0xffff, v3;
	v3 =	vadd.f32 v7, v5;
	v5 =	vld [tilespmem:s23+$0xFFFFFFD0]  }
0x3f: {  	v6 =	vsub.f32 v6, v0;
	v2 =	vsub.f32 v2, v1  }
0x40: {  	v8 =	vld [tilespmem:s23+$0xFFFFFFC0]  }
0x41: {  	v6 =	vmul.f32 v6, v6;
	(xrf2) =	vadd.scan.msk.f32 $0xffff, v3;
	v2 =	vmul.f32 v2, v2  }
0x42: {  	v7 =	vsub.f32 v9, v0;
	v3 =	vsub.f32 v4, v1  }
0x43: {  	v4 =	vld [tilespmem:s23+$0xFFFFFFE0];
	v2 =	vadd.f32 v2, v6;
	v5 =	vsub.f32 v5, v1  }
0x44: {  	v7 =	vmul.f32 v7, v7;
	v6 =	vld [tilespmem:s23+$0xFFFFFFF0];
	v3 =	vmul.f32 v3, v3  }
0x45: {  	(xrf2) =	vadd.scan.msk.f32 $0xffff, v2;
	v2 =	vsub.f32 v8, v0;
	v8 =	vld [tilespmem:s23+$0x0];
	v5 =	vmul.f32 v5, v5  }
0x46: {  	v9, _, _ =	vpop (xrf2);
	v3 =	vadd.f32 v3, v7;
	v7 =	vld [tilespmem:s23+$0x10]  }
0x47: {  	v10 =	vld [tilespmem:s23+$0x30];
	(v2sf) =	vpush v9, $0xF;
	v9, _, _ =	vpop (xrf2);
	v2 =	vmul.f32 v2, v2  }
0x48: {  	v4 =	vsub.f32 v4, v0;
	(v2sf) =	vpush v9, $0xF;
	v9 =	vld [tilespmem:s23+$0x20]  }
0x49: {  	v6 =	vsub.f32 v6, v1;
	v2 =	vadd.f32 v5, v2;
	v5, _, _ =	vpop (xrf2)  }
0x4a: {  	(xrf2) =	vadd.scan.msk.f32 $0xffff, v3;
	v3 =	vmul.f32 v4, v4;
	(v2sf) =	vpush v5, $0xF  }
0x4b: {  	v4 =	vmul.f32 v6, v6;
	v5 =	vsub.f32 v8, v0;
	v6 =	vsub.f32 v7, v1;
	v7, _, _ =	vpop (xrf2)  }
0x4c: {  	(v2sf) =	vpush v7, $0xF;
	v7 =	vsub.f32 v10, v1  }
0x4d: {  	v8 =	vld [tilespmem:s23+$0x50];
	(xrf2) =	vadd.scan.msk.f32 $0xffff, v2;
	v3 =	vadd.f32 v4, v3;
	v2 =	vsub.f32 v9, v0  }
0x4e: {  	v5 =	vmul.f32 v5, v5;
	v6 =	vmul.f32 v6, v6  }
0x4f: {  	v4 =	vld [tilespmem:s23+$0x40];
	(xrf2) =	vadd.scan.msk.f32 $0xffff, v3;
	v2 =	vmul.f32 v2, v2;
	v3 =	vmul.f32 v7, v7  }
0x50: {  	v10 =	vld [tilespmem:s23+$0x60];
	v5 =	vadd.f32 v6, v5  }
0x51: {  	v6 =	vld [tilespmem:s23+$0x70];
	v2 =	vadd.f32 v3, v2  }
0x52: {  	v7 =	vld [tilespmem:s23+$0x80];
	v9, _, _ =	vpop (xrf2);
	(xrf2) =	vadd.scan.msk.f32 $0xffff, v5;
	v5 =	vsub.f32 v8, v1  }
0x53: {  	(v2sf) =	vpush v9, $0xF  }
0x54: {  	v3 =	vsub.f32 v4, v0;
	v5 =	vmul.f32 v5, v5  }
0x55: {  	v4 =	vld [tilespmem:s23+$0x90];
	(xrf2) =	vadd.scan.msk.f32 $0xffff, v2;
	v2, _, _ =	vpop (xrf2)  }
0x56: {  	v3 =	vmul.f32 v3, v3;
	v6 =	vsub.f32 v6, v1;
	s22 =	spop (v2sf);
	(v2sf) =	vpush v2, $0xF  }
0x57: {  	v8 =	vld [tilespmem:s23+$0xA0];
	v7 =	vsub.f32 v7, v0;
	v2 =	vsub.f32 v10, v0  }
0x58: {  	v9 =	vld [tilespmem:s23+$0xB0];
	p0 =	slt.f32 s22, s18;
	v3 =	vadd.f32 v5, v3;
	v5, _, _ =	vpop (xrf2)  }
0x59: {  	v6 =	vmul.f32 v6, v6;
	s24 =	spop (v2sf);
	v2 =	vmul.f32 v2, v2;
	(v2sf) =	vpush v5, $0xF  }
0x5a: {  	v11 =	vld [tilespmem:s23+$0xD0];
	v4 =	vsub.f32 v4, v1;
	s18 =	smov.u32 @p0 s22;
	(xrf2) =	vadd.scan.msk.f32 $0xffff, v3  }
0x5b: {  	v10 =	vld [tilespmem:s23+$0xC0];
	v5 =	vmul.f32 v7, v7;
	p1 =	slt.f32 s24, s18;
	v7, _, _ =	vpop (xrf2);
	v6 =	vadd.f32 v6, v2  }
0x5c: {  	v4 =	vmul.f32 v4, v4;
	s25 =	spop (v2sf);
	(v2sf) =	vpush v7, $0xF  }
0x5d: {  	v8 =	vsub.f32 v8, v0;
	v9 =	vsub.f32 v9, v1;
	s22 =	sadd.s32 $0x0, s20;
	v2 =	vld [tilespmem:s23+$0xE0];
	s18 =	smov.u32 @p1 s24;
	(xrf2) =	vadd.scan.msk.f32 $0xffff, v6  }
0x5e: {  	s19 =	smov.u32 @p0 s22;
	s24 =	sadd.s32 $0x1, s22;
	v5 =	vadd.f32 v4, v5;
	v4 =	vld [tilespmem:s23+$0xF0];
	v3, _, _ =	vpop (xrf2);
	p0 =	slt.f32 s25, s18  }
0x5f: {  	v7 =	vmul.f32 v8, v8;
	v8 =	vmul.f32 v9, v9;
	s28 =	spop (v2sf);
	s19 =	smov.u32 @p1 s24;
	s24 =	sadd.s32 $0x200, s23;
	(v2sf) =	vpush v3, $0xF  }
0x60: {  	s26 =	sadd.s32 $0x2, s22;
	v9 =	vsub.f32 v10, v0;
	v10 =	vsub.f32 v11, v1;
	v3 =	vld [tilespmem:s24+$0xFFFFFF00];
	v11, _, _ =	vpop (xrf2);
	(xrf2) =	vadd.scan.msk.f32 $0xffff, v5;
	s18 =	smov.u32 @p0 s25  }
0x61: {  	s23 =	simm.s32 $0x10;
	v6 =	vadd.f32 v8, v7;
	v5 =	vld [tilespmem:s24+$0xFFFFFF10];
	s19 =	smov.u32 @p0 s26;
	p3 =	slt.f32 s28, s18  }
0x62: {  	v7 =	vmul.f32 v9, v9;
	v8 =	vmul.f32 v10, v10;
	s25 =	simm.s32 $0x20;
	s26 =	sadd.s32 $0x3, s22;
	s29 =	spop (v2sf);
	(v2sf) =	vpush v11, $0xF  }
.LBB2_4:
0x63: {  	p2 =	seq.s32 s25, $0x3E0;
	v9 =	vld [tilespmem:s24+$0xFFFFFF20];
	s19 =	smov.u32 @p3 s26;
	s18 =	smov.u32 @p3 s28;
	v2 =	vsub.f32 v2, v0;
	v4 =	vsub.f32 v4, v1;
	(xrf2) =	vadd.scan.msk.f32 $0xffff, v6  }
0x64: {  	v6 =	vld [tilespmem:s24+$0xFFFFFF30];
	p0 =	slt.f32 s29, s18;
	v7 =	vadd.f32 v8, v7;
	v8, _, _ =	vpop (xrf2)  }
0x65: {  	s26 =	sadd.s32 $0x4, s22;
	v2 =	vmul.f32 v2, v2;
	v10 =	vmul.f32 v4, v4;
	s28 =	spop (v2sf);
	(v2sf) =	vpush v8, $0xF  }
0x66: {  	v3 =	vsub.f32 v3, v0;
	v5 =	vsub.f32 v5, v1;
	v8 =	vld [tilespmem:s24+$0xFFFFFF40];
	s19 =	smov.u32 @p0 s26;
	s18 =	smov.u32 @p0 s29;
	(xrf2) =	vadd.scan.msk.f32 $0xffff, v7  }
0x67: {  	v7 =	vld [tilespmem:s24+$0xFFFFFF50];
	p0 =	slt.f32 s28, s18;
	v2 =	vadd.f32 v10, v2;
	v4, _, _ =	vpop (xrf2)  }
0x68: {  	s26 =	sadd.s32 $0x5, s22;
	v3 =	vmul.f32 v3, v3;
	v10 =	vmul.f32 v5, v5;
	s29 =	spop (v2sf);
	(v2sf) =	vpush v4, $0xF  }
0x69: {  	v4 =	vsub.f32 v9, v0;
	v6 =	vsub.f32 v6, v1;
	v9 =	vld [tilespmem:s24+$0xFFFFFF60];
	s19 =	smov.u32 @p0 s26;
	s18 =	smov.u32 @p0 s28;
	(xrf2) =	vadd.scan.msk.f32 $0xffff, v2  }
0x6a: {  	v2 =	vadd.f32 v10, v3;
	v3 =	vld [tilespmem:s24+$0xFFFFFF70];
	p0 =	slt.f32 s29, s18;
	v5, _, _ =	vpop (xrf2)  }
0x6b: {  	s26 =	sadd.s32 $0x6, s22;
	v4 =	vmul.f32 v4, v4;
	v10 =	vmul.f32 v6, v6;
	s28 =	spop (v2sf);
	(v2sf) =	vpush v5, $0xF  }
0x6c: {  	v5 =	vsub.f32 v8, v0;
	v7 =	vsub.f32 v7, v1;
	v8 =	vld [tilespmem:s24+$0xFFFFFF80];
	(xrf2) =	vadd.scan.msk.f32 $0xffff, v2;
	s19 =	smov.u32 @p0 s26;
	s18 =	smov.u32 @p0 s29  }
0x6d: {  	v2 =	vadd.f32 v10, v4;
	v4 =	vld [tilespmem:s24+$0xFFFFFF90];
	p0 =	slt.f32 s28, s18;
	v6, _, _ =	vpop (xrf2)  }
0x6e: {  	s26 =	sadd.s32 $0x7, s22;
	v5 =	vmul.f32 v5, v5;
	v10 =	vmul.f32 v7, v7;
	s29 =	spop (v2sf);
	(v2sf) =	vpush v6, $0xF  }
0x6f: {  	v6 =	vsub.f32 v9, v0;
	v3 =	vsub.f32 v3, v1;
	v9 =	vld [tilespmem:s24+$0xFFFFFFA0];
	(xrf2) =	vadd.scan.msk.f32 $0xffff, v2;
	s19 =	smov.u32 @p0 s26;
	s18 =	smov.u32 @p0 s28  }
0x70: {  	v2 =	vadd.f32 v10, v5;
	v5 =	vld [tilespmem:s24+$0xFFFFFFB0];
	p0 =	slt.f32 s29, s18;
	v7, _, _ =	vpop (xrf2)  }
0x71: {  	s26 =	sadd.s32 $0x8, s22;
	v10 =	vmul.f32 v6, v6;
	v3 =	vmul.f32 v3, v3;
	s28 =	spop (v2sf);
	(v2sf) =	vpush v7, $0xF  }
0x72: {  	v7 =	vsub.f32 v8, v0;
	v4 =	vsub.f32 v4, v1;
	v8 =	vld [tilespmem:s24+$0xFFFFFFC0];
	(xrf2) =	vadd.scan.msk.f32 $0xffff, v2;
	s19 =	smov.u32 @p0 s26;
	s18 =	smov.u32 @p0 s29  }
0x73: {  	v2 =	vadd.f32 v3, v10;
	v3 =	vld [tilespmem:s24+$0xFFFFFFD0];
	p0 =	slt.f32 s28, s18;
	v6, _, _ =	vpop (xrf2)  }
0x74: {  	s26 =	sadd.s32 $0x9, s22;
	v10 =	vmul.f32 v7, v7;
	v4 =	vmul.f32 v4, v4;
	s29 =	spop (v2sf);
	(v2sf) =	vpush v6, $0xF  }
0x75: {  	v6 =	vsub.f32 v9, v0;
	v5 =	vsub.f32 v5, v1;
	v9 =	vld [tilespmem:s24+$0xFFFFFFE0];
	(xrf2) =	vadd.scan.msk.f32 $0xffff, v2;
	s19 =	smov.u32 @p0 s26;
	s18 =	smov.u32 @p0 s28  }
0x76: {  	v2 =	vadd.f32 v4, v10;
	v4 =	vld [tilespmem:s24+$0xFFFFFFF0];
	v7, _, _ =	vpop (xrf2);
	p0 =	slt.f32 s29, s18  }
0x77: {  	s26 =	sadd.s32 $0xA, s22;
	v10 =	vmul.f32 v6, v6;
	v5 =	vmul.f32 v5, v5;
	(v2sf) =	vpush v7, $0xF;
	s28 =	spop (v2sf)  }
0x78: {  	v7 =	vsub.f32 v8, v0;
	v3 =	vsub.f32 v3, v1;
	v8 =	vld [tilespmem:s24+$0x0];
	(xrf2) =	vadd.scan.msk.f32 $0xffff, v2;
	s19 =	smov.u32 @p0 s26;
	s18 =	smov.u32 @p0 s29  }
0x79: {  	v2 =	vadd.f32 v5, v10;
	v5 =	vld [tilespmem:s24+$0x10];
	v6, _, _ =	vpop (xrf2);
	p0 =	slt.f32 s28, s18  }
0x7a: {  	s26 =	sadd.s32 $0xB, s22;
	v10 =	vmul.f32 v7, v7;
	v3 =	vmul.f32 v3, v3;
	(v2sf) =	vpush v6, $0xF;
	s29 =	spop (v2sf)  }
0x7b: {  	v6 =	vsub.f32 v9, v0;
	v4 =	vsub.f32 v4, v1;
	v9 =	vld [tilespmem:s24+$0x20];
	(xrf2) =	vadd.scan.msk.f32 $0xffff, v2;
	s19 =	smov.u32 @p0 s26;
	s18 =	smov.u32 @p0 s28  }
0x7c: {  	v2 =	vadd.f32 v3, v10;
	v3 =	vld [tilespmem:s24+$0x30];
	v7, _, _ =	vpop (xrf2);
	p0 =	slt.f32 s29, s18  }
0x7d: {  	s26 =	sadd.s32 $0xC, s22;
	v10 =	vmul.f32 v6, v6;
	v4 =	vmul.f32 v4, v4;
	(v2sf) =	vpush v7, $0xF;
	s28 =	spop (v2sf)  }
0x7e: {  	v7 =	vsub.f32 v8, v0;
	v5 =	vsub.f32 v5, v1;
	v8 =	vld [tilespmem:s24+$0x40];
	(xrf2) =	vadd.scan.msk.f32 $0xffff, v2;
	s19 =	smov.u32 @p0 s26;
	s18 =	smov.u32 @p0 s29  }
0x7f: {  	v2 =	vadd.f32 v4, v10;
	v4 =	vld [tilespmem:s24+$0x50];
	v6, _, _ =	vpop (xrf2);
	p0 =	slt.f32 s28, s18  }
0x80: {  	s26 =	sadd.s32 $0xD, s22;
	v10 =	vmul.f32 v7, v7;
	v5 =	vmul.f32 v5, v5;
	(v2sf) =	vpush v6, $0xF;
	s29 =	spop (v2sf)  }
0x81: {  	v6 =	vsub.f32 v9, v0;
	v3 =	vsub.f32 v3, v1;
	v9 =	vld [tilespmem:s24+$0x60];
	(xrf2) =	vadd.scan.msk.f32 $0xffff, v2;
	s19 =	smov.u32 @p0 s26;
	s18 =	smov.u32 @p0 s28  }
0x82: {  	v2 =	vadd.f32 v5, v10;
	v5 =	vld [tilespmem:s24+$0x70];
	v7, _, _ =	vpop (xrf2);
	p0 =	slt.f32 s29, s18  }
0x83: {  	s26 =	sadd.s32 $0xE, s22;
	v10 =	vmul.f32 v6, v6;
	v3 =	vmul.f32 v3, v3;
	(v2sf) =	vpush v7, $0xF;
	s28 =	spop (v2sf)  }
0x84: {  	v7 =	vsub.f32 v8, v0;
	v4 =	vsub.f32 v4, v1;
	v8 =	vld [tilespmem:s24+$0x80];
	(xrf2) =	vadd.scan.msk.f32 $0xffff, v2;
	s19 =	smov.u32 @p0 s26;
	s18 =	smov.u32 @p0 s29  }
0x85: {  	v2 =	vadd.f32 v3, v10;
	v3 =	vld [tilespmem:s24+$0x90];
	v6, _, _ =	vpop (xrf2);
	p0 =	slt.f32 s28, s18  }
0x86: {  	s22 =	sadd.s32 $0xF, s22;
	v10 =	vmul.f32 v7, v7;
	v4 =	vmul.f32 v4, v4;
	s26 =	spop (v2sf);
	(v2sf) =	vpush v6, $0xF  }
0x87: {  	v6 =	vsub.f32 v9, v0;
	v5 =	vsub.f32 v5, v1;
	v9 =	vld [tilespmem:s24+$0xA0];
	(xrf2) =	vadd.scan.msk.f32 $0xffff, v2;
	s19 =	smov.u32 @p0 s22;
	s18 =	smov.u32 @p0 s28  }
0x88: {  	p0 =	slt.f32 s26, s18;
	v10 =	vadd.f32 v4, v10;
	v4 =	vld [tilespmem:s24+$0xB0];
	v7, _, _ =	vpop (xrf2)  }
0x89: {  	s22 =	sadd.s32 s23, s20;
	s23 =	smov.u32 s25;
	v6 =	vmul.f32 v6, v6;
	v5 =	vmul.f32 v5, v5;
	s28 =	spop (v2sf);
	(v2sf) =	vpush v7, $0xF  }
0x8a: {  	v7 =	vsub.f32 v8, v0;
	s19 =	smov.u32 @p0 s22;
	s18 =	smov.u32 @p0 s26;
	v3 =	vsub.f32 v3, v1;
	v8 =	vld [tilespmem:s24+$0xC0];
	(xrf2) =	vadd.scan.msk.f32 $0xffff, v10  }
0x8b: {  	p0 =	slt.f32 s28, s18;
	v5 =	vadd.f32 v5, v6;
	v6 =	vld [tilespmem:s24+$0xD0];
	v2, _, _ =	vpop (xrf2)  }
0x8c: {  	s26 =	sadd.s32 $0x1, s22;
	v7 =	vmul.f32 v7, v7;
	v11 =	vmul.f32 v3, v3;
	s29 =	spop (v2sf);
	(v2sf) =	vpush v2, $0xF  }
0x8d: {  	v9 =	vsub.f32 v9, v0;
	s19 =	smov.u32 @p0 s26;
	s18 =	smov.u32 @p0 s28;
	v10 =	vsub.f32 v4, v1;
	v2 =	vld [tilespmem:s24+$0xE0];
	(xrf2) =	vadd.scan.msk.f32 $0xffff, v5  }
.Ltmp2:
0x8e: {  	p0 =	slt.f32 s29, s18;
	v5 =	vadd.f32 v11, v7;
	v4 =	vld [tilespmem:s24+$0xF0];
	v3, _, _ =	vpop (xrf2);
	(pc) =	sbr.rel @!p2 .LBB2_4-.Ltmp2, $4  }
0x8f: {  	s26 =	sadd.s32 $0x2, s22;
	v7 =	vmul.f32 v9, v9;
	s24 =	sadd.s32 $0x200, s24;
	v11 =	vmul.f32 v10, v10;
	s28 =	spop (v2sf);
	(v2sf) =	vpush v3, $0xF  }
0x90: {  	v8 =	vsub.f32 v8, v0;
	v3 =	vld [tilespmem:s24+$0xFFFFFF00];
	s19 =	smov.u32 @p0 s26;
	s18 =	smov.u32 @p0 s29;
	v10 =	vsub.f32 v6, v1;
	(xrf2) =	vadd.scan.msk.f32 $0xffff, v5  }
0x91: {  	v5 =	vld [tilespmem:s24+$0xFFFFFF10];
	p3 =	slt.f32 s28, s18;
	v6 =	vadd.f32 v11, v7;
	v9, _, _ =	vpop (xrf2)  }
0x92: {  	s25 =	sadd.s32 $0x10, s25;
	s26 =	sadd.s32 $0x3, s22;
	v7 =	vmul.f32 v8, v8;
	v8 =	vmul.f32 v10, v10;
	s29 =	spop (v2sf);
	(v2sf) =	vpush v9, $0xF  }
0x93: {  	s18 =	smov.u32 @p3 s28  }
0x94: {  	p0 =	slt.f32 s29, s18;
	_ =	sdelay $0x1  }
0x95: {  	s25 =	spop (v2sf);
	s18 =	smov.u32 @p0 s29  }
0x96: {  	p6 =	slt.f32 s25, s18;
	_ =	sdelay $0x1  }
0x97: {  	v61, _, _ =	vpop (xrf2);
	s28 =	spop (v2sf);
	s18 =	smov.u32 @p6 s25  }
0x98: {  	(v2sf) =	vpush v61, $0xF;
	p2 =	slt.f32 s28, s18;
	_ =	sdelay $0x1  }
0x99: {  	s25 =	spop (v2sf);
	s18 =	smov.u32 @p2 s28  }
0x9a: {  	p4 =	slt.f32 s25, s18  }
0x9b: {  	(xrf2) =	vadd.scan.msk.f32 $0xffff, v6;
	v11, _, _ =	vpop (xrf2)  }
0x9c: {  	(v2sf) =	vpush v11, $0xF;
	s28 =	spop (v2sf);
	s18 =	smov.u32 @p4 s25  }
0x9d: {  	p5 =	slt.f32 s28, s18  }
0x9e: {  	v7 =	vadd.f32 v8, v7  }
0x9f: {  	v2 =	vsub.f32 v2, v0;
	v4 =	vsub.f32 v4, v1;
	s25 =	simm.s32 @!p5 $0x0  }
0xa0: {  	(xrf2) =	vadd.scan.msk.f32 $0xffff, v7;
	v14, _, _ =	vpop (xrf2);
	s25 =	simm.s32 @p5 $0x1  }
0xa1: {  	v9 =	vld [tilespmem:s24+$0xFFFFFF20];
	v2 =	vmul.f32 v2, v2;
	v4 =	vmul.f32 v4, v4;
	(v2sf) =	vpush v14, $0xF;
	s18 =	smov.u32 @p5 s28;
	[smem:$0x7F1] =	sst s25;
	s25 =	spop (v2sf)  }
0xa2: {  	v60 =	vld [tilespmem:s24+$0xFFFFFF30];
	v3 =	vsub.f32 v3, v0;
	v5 =	vsub.f32 v5, v1;
	p5 =	slt.f32 s25, s18  }
0xa3: {  	v2 =	vadd.f32 v4, v2  }
0xa4: {  	v3 =	vmul.f32 v3, v3;
	v5 =	vmul.f32 v5, v5;
	s28 =	simm.s32 @!p5 $0x0  }
0xa5: {  	(xrf2) =	vadd.scan.msk.f32 $0xffff, v2;
	v18, _, _ =	vpop (xrf2);
	s28 =	simm.s32 @p5 $0x1  }
0xa6: {  	v62 =	vld [tilespmem:s24+$0xFFFFFF40];
	v2 =	vadd.f32 v5, v3;
	(v2sf) =	vpush v18, $0xF;
	s18 =	smov.u32 @p5 s25;
	[smem:$0x7F2] =	sst s28;
	s28 =	spop (v2sf)  }
0xa7: {  	v63 =	vld [tilespmem:s24+$0xFFFFFF50];
	v12 =	vsub.f32 v9, v0;
	v6 =	vsub.f32 v60, v1;
	p5 =	slt.f32 s28, s18  }
0xa8: {  	v13 =	vld [tilespmem:s24+$0xFFFFFF60];
	(xrf2) =	vadd.scan.msk.f32 $0xffff, v2  }
0xa9: {  	v3 =	vld [tilespmem:s24+$0xFFFFFF70];
	v4 =	vmul.f32 v12, v12;
	v6 =	vmul.f32 v6, v6;
	s25 =	simm.s32 @!p5 $0x0  }
0xaa: {  	v22, _, _ =	vpop (xrf2);
	s25 =	simm.s32 @p5 $0x1  }
0xab: {  	v2 =	vadd.f32 v6, v4;
	(v2sf) =	vpush v22, $0xF;
	s18 =	smov.u32 @p5 s28;
	[smem:$0x7F3] =	sst s25;
	s25 =	spop (v2sf)  }
0xac: {  	v15 =	vsub.f32 v62, v0;
	v7 =	vsub.f32 v63, v1;
	p5 =	slt.f32 s25, s18  }
0xad: {  	v16 =	vld [tilespmem:s24+$0xFFFFFF80];
	v19 =	vsub.f32 v13, v0;
	(xrf2) =	vadd.scan.msk.f32 $0xffff, v2  }
0xae: {  	v17 =	vld [tilespmem:s24+$0xFFFFFF90];
	v5 =	vmul.f32 v15, v15;
	v7 =	vmul.f32 v7, v7;
	v3 =	vsub.f32 v3, v1;
	s28 =	simm.s32 @!p5 $0x0  }
0xaf: {  	v21 =	vld [tilespmem:s24+$0xFFFFFFB0];
	v6 =	vmul.f32 v19, v19;
	v25, _, _ =	vpop (xrf2);
	s28 =	simm.s32 @p5 $0x1  }
0xb0: {  	v20 =	vld [tilespmem:s24+$0xFFFFFFA0];
	v2 =	vadd.f32 v7, v5;
	v3 =	vmul.f32 v3, v3;
	(v2sf) =	vpush v25, $0xF;
	s18 =	smov.u32 @p5 s25;
	[smem:$0x7F4] =	sst s28;
	s28 =	spop (v2sf)  }
0xb1: {  	v24 =	vld [tilespmem:s24+$0xFFFFFFC0];
	p5 =	slt.f32 s28, s18  }
0xb2: {  	v23 =	vsub.f32 v16, v0;
	(xrf2) =	vadd.scan.msk.f32 $0xffff, v2;
	v2 =	vadd.f32 v3, v6;
	v3 =	vld [tilespmem:s24+$0xFFFFFFD0];
	v29, _, _ =	vpop (xrf2)  }
0xb3: {  	v4 =	vsub.f32 v17, v1;
	(v2sf) =	vpush v29, $0xF;
	s25 =	simm.s32 @!p5 $0x0  }
0xb4: {  	v5 =	vsub.f32 v21, v1;
	s25 =	simm.s32 @p5 $0x1  }
0xb5: {  	v27 =	vld [tilespmem:s24+$0xFFFFFFE0];
	v26 =	vsub.f32 v20, v0;
	v7 =	vmul.f32 v23, v23;
	v4 =	vmul.f32 v4, v4;
	(xrf2) =	vadd.scan.msk.f32 $0xffff, v2;
	s18 =	smov.u32 @p5 s28;
	[smem:$0x7F5] =	sst s25;
	s25 =	spop (v2sf)  }
0xb6: {  	v28 =	vld [tilespmem:s24+$0xFFFFFFF0];
	v30 =	vsub.f32 v24, v0;
	v5 =	vmul.f32 v5, v5;
	p5 =	slt.f32 s25, s18  }
0xb7: {  	v6 =	vmul.f32 v26, v26;
	v2 =	vadd.f32 v4, v7;
	v3 =	vsub.f32 v3, v1;
	v33, _, _ =	vpop (xrf2)  }
0xb8: {  	v32 =	vld [tilespmem:s24+$0x10];
	(v2sf) =	vpush v33, $0xF;
	s28 =	simm.s32 @!p5 $0x0  }
0xb9: {  	v31 =	vld [tilespmem:s24+$0x0];
	v7 =	vmul.f32 v30, v30;
	(xrf2) =	vadd.scan.msk.f32 $0xffff, v2;
	v2 =	vadd.f32 v5, v6;
	v3 =	vmul.f32 v3, v3;
	s28 =	simm.s32 @p5 $0x1  }
0xba: {  	v35 =	vld [tilespmem:s24+$0x20];
	v34 =	vsub.f32 v27, v0;
	s18 =	smov.u32 @p5 s25;
	[smem:$0x7F6] =	sst s28;
	s28 =	spop (v2sf)  }
0xbb: {  	v4 =	vsub.f32 v28, v1;
	(xrf2) =	vadd.scan.msk.f32 $0xffff, v2;
	v2 =	vadd.f32 v3, v7;
	v3 =	vld [tilespmem:s24+$0x30];
	p1 =	slt.f32 s28, s18  }
0xbc: {  	v6 =	vmul.f32 v34, v34;
	v36, _, _ =	vpop (xrf2)  }
0xbd: {  	v4 =	vmul.f32 v4, v4;
	v5 =	vsub.f32 v32, v1;
	(v2sf) =	vpush v36, $0xF;
	s25 =	simm.s32 @!p1 $0x0  }
0xbe: {  	v38 =	vld [tilespmem:s24+$0x40];
	v37 =	vsub.f32 v31, v0;
	s25 =	simm.s32 @p1 $0x1  }
0xbf: {  	v39 =	vld [tilespmem:s24+$0x50];
	v41 =	vsub.f32 v35, v0;
	v5 =	vmul.f32 v5, v5;
	(xrf2) =	vadd.scan.msk.f32 $0xffff, v2;
	v2 =	vadd.f32 v4, v6;
	v40, _, _ =	vpop (xrf2);
	s18 =	smov.u32 @p1 s28;
	[smem:$0x7F7] =	sst s25;
	s25 =	spop (v2sf)  }
0xc0: {  	v42 =	vld [tilespmem:s24+$0x60];
	v7 =	vmul.f32 v37, v37;
	v3 =	vsub.f32 v3, v1;
	(v2sf) =	vpush v40, $0xF;
	p1 =	slt.f32 s25, s18  }
0xc1: {  	v43 =	vld [tilespmem:s24+$0x70]  }
0xc2: {  	v6 =	vmul.f32 v41, v41;
	(xrf2) =	vadd.scan.msk.f32 $0xffff, v2;
	v2 =	vadd.f32 v5, v7;
	v3 =	vmul.f32 v3, v3;
	s28 =	spop (v2sf);
	s18 =	smov.u32 @p1 s25  }
0xc3: {  	v46 =	vld [tilespmem:s24+$0x80];
	p5 =	slt.f32 s28, s18  }
0xc4: {  	v45 =	vsub.f32 v38, v0;
	v44, _, _ =	vpop (xrf2);
	(xrf2) =	vadd.scan.msk.f32 $0xffff, v2;
	v2 =	vadd.f32 v3, v6;
	v3 =	vld [tilespmem:s24+$0x90]  }
0xc5: {  	v4 =	vsub.f32 v39, v1;
	(v2sf) =	vpush v44, $0xF;
	s25 =	simm.s32 @!p5 $0x0  }
0xc6: {  	v48 =	vsub.f32 v42, v0;
	v5 =	vsub.f32 v43, v1;
	v47, _, _ =	vpop (xrf2);
	s25 =	simm.s32 @p5 $0x1  }
0xc7: {  	v7 =	vmul.f32 v45, v45;
	v4 =	vmul.f32 v4, v4;
	(v2sf) =	vpush v47, $0xF;
	s18 =	smov.u32 @p5 s28;
	[smem:$0x7F8] =	sst s25;
	s25 =	spop (v2sf)  }
0xc8: {  	v49 =	vld [tilespmem:s24+$0xA0];
	v52 =	vsub.f32 v46, v0;
	v5 =	vmul.f32 v5, v5;
	p5 =	slt.f32 s25, s18  }
0xc9: {  	v50 =	vld [tilespmem:s24+$0xB0];
	v6 =	vmul.f32 v48, v48;
	(xrf2) =	vadd.scan.msk.f32 $0xffff, v2;
	v2 =	vadd.f32 v4, v7;
	v3 =	vsub.f32 v3, v1  }
0xca: {  	v53 =	vld [tilespmem:s24+$0xC0];
	s19 =	smov.u32 @p3 s26;
	s29 =	sld [smem:$0x7F1];
	v7 =	vmul.f32 v52, v52;
	v51, _, _ =	vpop (xrf2);
	s28 =	simm.s32 @!p5 $0x0  }
0xcb: {  	v54 =	vld [tilespmem:s24+$0xD0];
	s30 =	sld [smem:$0x7F2];
	(xrf2) =	vadd.scan.msk.f32 $0xffff, v2;
	v2 =	vadd.f32 v5, v6;
	v3 =	vmul.f32 v3, v3;
	(v2sf) =	vpush v51, $0xF;
	s18 =	smov.u32 @p5 s25;
	s28 =	simm.s32 @p5 $0x1  }
0xcc: {  	v57 =	vld [tilespmem:s24+$0xE0];
	s25 =	sadd.s32 $0x4, s22;
	[smem:$0x7F9] =	sst s28;
	s28 =	spop (v2sf)  }
0xcd: {  	v55, _, _ =	vpop (xrf2);
	(xrf2) =	vadd.scan.msk.f32 $0xffff, v2;
	v2 =	vadd.f32 v3, v7;
	v3 =	vld [tilespmem:s24+$0xF0];
	s24 =	sadd.s32 $0x5, s22;
	s19 =	smov.u32 @p0 s25;
	p3 =	slt.f32 s28, s18  }
0xce: {  	s31 =	sld [smem:$0x7F3];
	s19 =	smov.u32 @p6 s24;
	s24 =	sadd.s32 $0x6, s22  }
0xcf: {  	(v2sf) =	vpush v55, $0xF;
	s25 =	spop (v2sf);
	s19 =	smov.u32 @p2 s24;
	s18 =	smov.u32 @p3 s28  }
0xd0: {  	v56 =	vsub.f32 v49, v0;
	v4 =	vsub.f32 v50, v1;
	s24 =	sadd.s32 $0x7, s22;
	s26 =	simm.s32 @!p3 $0x0;
	p0 =	slt.f32 s25, s18  }
0xd1: {  	v59 =	vsub.f32 v53, v0;
	v58, _, _ =	vpop (xrf2);
	s19 =	smov.u32 @p4 s24;
	s28 =	sld [smem:$0x7F4];
	s26 =	simm.s32 @p3 $0x1  }
0xd2: {  	v6 =	vmul.f32 v56, v56;
	v4 =	vmul.f32 v4, v4;
	(v2sf) =	vpush v58, $0xF;
	[smem:$0x7FA] =	sst s26;
	s26 =	simm.s32 @!p0 $0x0;
	s18 =	smov.u32 @p0 s25  }
0xd3: {  	v62 =	vsub.f32 v57, v0;
	v5 =	vsub.f32 v54, v1;
	(xrf2) =	vadd.scan.msk.f32 $0xffff, v2;
	s26 =	simm.s32 @p0 $0x1;
	p0 =	seq.s32 s29, $0x1;
	s29 =	sld [smem:$0x7F5]  }
0xd4: {  	v2 =	vadd.f32 v4, v6;
	v60, _, _ =	vpop (xrf2);
	v3 =	vsub.f32 v3, v1;
	s24 =	sadd.s32 $0x8, s22;
	[smem:$0x7FB] =	sst s26;
	s26 =	spop (v2sf)  }
0xd5: {  	v61 =	vmul.f32 v59, v59;
	v5 =	vmul.f32 v5, v5;
	(v2sf) =	vpush v60, $0xF;
	s19 =	smov.u32 @p0 s24;
	p0 =	seq.s32 s30, $0x1;
	s30 =	sld [smem:$0x7F6]  }
0xd6: {  	(xrf2) =	vadd.scan.msk.f32 $0xffff, v2;
	v3 =	vmul.f32 v3, v3;
	s24 =	sadd.s32 $0x9, s22;
	p5 =	slt.f32 s26, s18;
	s25 =	spop (v2sf)  }
0xd7: {  	v4 =	vmul.f32 v62, v62;
	v2 =	vadd.f32 v5, v61;
	v63, _, _ =	vpop (xrf2);
	s19 =	smov.u32 @p0 s24;
	s24 =	sadd.s32 $0xA, s22;
	p0 =	seq.s32 s31, $0x1  }
0xd8: {  	(v2sf) =	vpush v63, $0xF;
	s31 =	sld [smem:$0x7F7];
	s19 =	smov.u32 @p0 s24;
	s18 =	smov.u32 @p5 s26  }
0xd9: {  	(xrf2) =	vadd.scan.msk.f32 $0xffff, v2;
	v2 =	vadd.f32 v3, v4;
	s24 =	sadd.s32 $0xB, s22;
	p0 =	seq.s32 s28, $0x1;
	p4 =	slt.f32 s25, s18  }
0xda: {  	v3, _, _ =	vpop (xrf2);
	s28 =	sld [smem:$0x7F8];
	s26 =	spop (v2sf);
	s19 =	smov.u32 @p0 s24  }
0xdb: {  	(v2sf) =	vpush v3, $0xF;
	s24 =	sadd.s32 $0xC, s22;
	p0 =	seq.s32 s29, $0x1;
	s18 =	smov.u32 @p4 s25  }
0xdc: {  	(xrf2) =	vadd.scan.msk.f32 $0xffff, v2;
	s29 =	sld [smem:$0x7F9];
	s19 =	smov.u32 @p0 s24;
	p3 =	slt.f32 s26, s18  }
0xdd: {  	v2, _, _ =	vpop (xrf2);
	s24 =	sadd.s32 $0xD, s22;
	p0 =	seq.s32 s30, $0x1;
	s30 =	sld [smem:$0x7FA]  }
0xde: {  	s19 =	smov.u32 @p0 s24;
	s25 =	spop (v2sf);
	(v2sf) =	vpush v2, $0xF;
	s18 =	smov.u32 @p3 s26  }
0xdf: {  	s24 =	sadd.s32 $0xE, s22;
	p0 =	seq.s32 s31, $0x1;
	p2 =	slt.f32 s25, s18  }
0xe0: {  	s22 =	sadd.s32 $0xF, s22;
	s31 =	sld [smem:$0x7FB];
	s19 =	smov.u32 @p0 s24;
	v2, _, _ =	vpop (xrf2)  }
0xe1: {  	p0 =	seq.s32 s28, $0x1;
	s24 =	spop (v2sf);
	(v2sf) =	vpush v2, $0xF;
	s18 =	smov.u32 @p2 s25  }
0xe2: {  	s19 =	smov.u32 @p1 s22;
	s22 =	sadd.s32 s23, s20;
	p1 =	slt.f32 s24, s18  }
0xe3: {  	p6 =	seq.s32 s30, $0x1;
	s19 =	smov.u32 @p0 s22;
	v2, _, _ =	vpop (xrf2);
	s23 =	sadd.s32 $0x1, s22  }
0xe4: {  	p0 =	seq.s32 s29, $0x1;
	s25 =	spop (v2sf);
	(v2sf) =	vpush v2, $0xF;
	s18 =	smov.u32 @p1 s24  }
0xe5: {  	s19 =	smov.u32 @p0 s23;
	s23 =	sadd.s32 $0x2, s22;
	p0 =	slt.f32 s25, s18  }
0xe6: {  	s19 =	smov.u32 @p6 s23;
	s23 =	sadd.s32 $0x3, s22;
	v2, _, _ =	vpop (xrf2)  }
0xe7: {  	p6 =	seq.s32 s31, $0x1;
	s24 =	spop (v2sf);
	(v2sf) =	vpush v2, $0xF;
	s18 =	smov.u32 @p0 s25  }
0xe8: {  	s19 =	smov.u32 @p6 s23;
	s23 =	sadd.s32 $0x4, s22;
	p6 =	slt.f32 s24, s18  }
0xe9: {  	s19 =	smov.u32 @p5 s23  }
0xea: {  	s23 =	sadd.s32 $0x5, s22;
	s25 =	spop (v2sf);
	s18 =	smov.u32 @p6 s24  }
0xeb: {  	s19 =	smov.u32 @p4 s23;
	s23 =	sadd.s32 $0x6, s22;
	p4 =	slt.f32 s25, s18  }
0xec: {  	s19 =	smov.u32 @p3 s23  }
0xed: {  	s23 =	sadd.s32 $0x7, s22;
	s24 =	spop (v2sf);
	s18 =	smov.u32 @p4 s25  }
0xee: {  	s19 =	smov.u32 @p2 s23;
	s23 =	sadd.s32 $0x8, s22;
	p2 =	slt.f32 s24, s18  }
0xef: {  	s19 =	smov.u32 @p1 s23  }
0xf0: {  	s23 =	sadd.s32 $0x9, s22;
	s25 =	spop (v2sf);
	s18 =	smov.u32 @p2 s24  }
0xf1: {  	s19 =	smov.u32 @p0 s23;
	s23 =	sadd.s32 $0xA, s22;
	p0 =	slt.f32 s25, s18  }
0xf2: {  	s19 =	smov.u32 @p6 s23  }
0xf3: {  	s23 =	sadd.s32 $0xB, s22;
	s24 =	spop (v2sf);
	s18 =	smov.u32 @p0 s25  }
0xf4: {  	s19 =	smov.u32 @p4 s23;
	s23 =	sadd.s32 $0xC, s22;
	p1 =	slt.f32 s24, s18  }
0xf5: {  	s19 =	smov.u32 @p2 s23  }
0xf6: {  	s23 =	sadd.s32 $0xD, s22;
	s25 =	spop (v2sf);
	s18 =	smov.u32 @p1 s24  }
0xf7: {  	s19 =	smov.u32 @p0 s23;
	s23 =	sadd.s32 $0xE, s22;
	p0 =	slt.f32 s25, s18  }
0xf8: {  	s22 =	sadd.s32 $0xF, s22;
	s19 =	smov.u32 @p1 s23  }
0xf9: {  	s19 =	smov.u32 @p0 s22;
	s18 =	smov.u32 @p0 s25  }
0xfa: {  	p0 =	seq.s32 s21, $0x1F  }
.Ltmp3:
0xfb: {  	s22 =	sld [smem:$0x7FC];
	(pc) =	sbr.rel @!p0 .LBB2_3-.Ltmp3, $3  }
0xfc: {  	_ =	sdelay $0x1  }
0xfd: {  	p1 =	seq.s32 s22, $0x1  }
0xfe: {  	s20 =	sadd.s32 $0x3F0, s20;
	p1 =	por !p1, !p1  }
0xff: {  	s20 =	sld [smem:$0x7FD];
	_ =	sdelay $0x2  }
0x100: {  	p0 =	seq.s32 s20, $0x1  }
.Ltmp4:
0x101: {  	_ = 	snop;
	(pc) =	sbr.rel @p0 .LBB2_10-.Ltmp4, $1  }
0x102: {  	_ =	sdelay $0x3  }
0x103: {  	[tilespmem:s13], [sflag:$0x1] =	stream.linear.gather [hbm4b:s7+s3], $0x800, $0x38;
	[tilespmem:$0xFC40] =	vst v63  }
0x104: {  	_ =	swait.ge [sflag:s14], $0x800  }
0x105: {  	[sflag:s14] =	ssyncset.done $0x0  }
0x106: {  	s20 =	simm.s32 $0x120;
	[sflag:s14] =	ssyncadd.s32 $0xFFFFF800  }
0x107: {  	v2 =	vld [tilespmem:s20+$0xFFFFFF00]  }
0x108: {  	v3 =	vld [tilespmem:s20+$0xFFFFFF10];
	_ =	sdelay $0x1  }
0x109: {  	v4 =	vld [tilespmem:s20+$0xFFFFFF20]  }
0x10a: {  	v5 =	vld [tilespmem:s20+$0xFFFFFF30];
	_ =	sdelay $0x1  }
0x10b: {  	v6 =	vld [tilespmem:s20+$0xFFFFFF40];
	v2 =	vsub.f32 v2, v0;
	v3 =	vsub.f32 v3, v1  }
0x10c: {  	v7 =	vld [tilespmem:s20+$0xFFFFFF50]  }
0x10d: {  	v8 =	vld [tilespmem:s20+$0xFFFFFF60];
	v2 =	vmul.f32 v2, v2;
	v3 =	vmul.f32 v3, v3  }
0x10e: {  	v9 =	vld [tilespmem:s20+$0xFFFFFF70];
	v4 =	vsub.f32 v4, v0;
	v5 =	vsub.f32 v5, v1  }
0x10f: {  	v2 =	vadd.f32 v3, v2  }
0x110: {  	v3 =	vmul.f32 v4, v4;
	v4 =	vmul.f32 v5, v5;
	v5 =	vsub.f32 v6, v0  }
0x111: {  	v7 =	vsub.f32 v7, v1  }
0x112: {  	v6 =	vld [tilespmem:s20+$0xFFFFFF80];
	v3 =	vadd.f32 v4, v3;
	v4 =	vmul.f32 v5, v5  }
0x113: {  	(xrf2) =	vadd.scan.msk.f32 $0xffff, v2;
	v2 =	vld [tilespmem:s20+$0xFFFFFF90];
	v5 =	vmul.f32 v7, v7;
	v7 =	vsub.f32 v8, v0;
	v8 =	vsub.f32 v9, v1;
	_ =	sdelay $0x1  }
0x114: {  	v9 =	vld [tilespmem:s20+$0xFFFFFFA0];
	(xrf2) =	vadd.scan.msk.f32 $0xffff, v3;
	v3 =	vadd.f32 v5, v4;
	v5 =	vmul.f32 v7, v7;
	v7 =	vmul.f32 v8, v8  }
0x115: {  	v4 =	vld [tilespmem:s20+$0xFFFFFFB0]  }
0x116: {  	(xrf2) =	vadd.scan.msk.f32 $0xffff, v3;
	v3 =	vadd.f32 v7, v5;
	v5 =	vld [tilespmem:s20+$0xFFFFFFD0]  }
0x117: {  	v6 =	vsub.f32 v6, v0;
	v2 =	vsub.f32 v2, v1  }
0x118: {  	v8 =	vld [tilespmem:s20+$0xFFFFFFC0]  }
0x119: {  	v6 =	vmul.f32 v6, v6;
	(xrf2) =	vadd.scan.msk.f32 $0xffff, v3;
	v2 =	vmul.f32 v2, v2  }
0x11a: {  	v7 =	vsub.f32 v9, v0;
	v3 =	vsub.f32 v4, v1  }
0x11b: {  	v4 =	vld [tilespmem:s20+$0xFFFFFFE0];
	v2 =	vadd.f32 v2, v6;
	v5 =	vsub.f32 v5, v1  }
0x11c: {  	v7 =	vmul.f32 v7, v7;
	v6 =	vld [tilespmem:s20+$0xFFFFFFF0];
	v3 =	vmul.f32 v3, v3  }
0x11d: {  	(xrf2) =	vadd.scan.msk.f32 $0xffff, v2;
	v2 =	vsub.f32 v8, v0;
	v8 =	vld [tilespmem:s20+$0x0];
	v5 =	vmul.f32 v5, v5  }
0x11e: {  	v9, _, _ =	vpop (xrf2);
	v3 =	vadd.f32 v3, v7;
	v7 =	vld [tilespmem:s20+$0x10]  }
0x11f: {  	v10 =	vld [tilespmem:s20+$0x30];
	(v2sf) =	vpush v9, $0xF;
	v9, _, _ =	vpop (xrf2);
	v2 =	vmul.f32 v2, v2  }
0x120: {  	v4 =	vsub.f32 v4, v0;
	(v2sf) =	vpush v9, $0xF;
	v9 =	vld [tilespmem:s20+$0x20]  }
0x121: {  	v6 =	vsub.f32 v6, v1;
	v2 =	vadd.f32 v5, v2;
	v5, _, _ =	vpop (xrf2)  }
0x122: {  	(xrf2) =	vadd.scan.msk.f32 $0xffff, v3;
	v3 =	vmul.f32 v4, v4;
	(v2sf) =	vpush v5, $0xF  }
0x123: {  	v4 =	vmul.f32 v6, v6;
	v5 =	vsub.f32 v8, v0;
	v6 =	vsub.f32 v7, v1;
	v7, _, _ =	vpop (xrf2)  }
0x124: {  	(v2sf) =	vpush v7, $0xF;
	v7 =	vsub.f32 v10, v1  }
0x125: {  	v8 =	vld [tilespmem:s20+$0x50];
	(xrf2) =	vadd.scan.msk.f32 $0xffff, v2;
	v3 =	vadd.f32 v4, v3;
	v2 =	vsub.f32 v9, v0  }
0x126: {  	v5 =	vmul.f32 v5, v5;
	v6 =	vmul.f32 v6, v6  }
0x127: {  	v4 =	vld [tilespmem:s20+$0x40];
	(xrf2) =	vadd.scan.msk.f32 $0xffff, v3;
	v2 =	vmul.f32 v2, v2;
	v3 =	vmul.f32 v7, v7  }
0x128: {  	v10 =	vld [tilespmem:s20+$0x60];
	v5 =	vadd.f32 v6, v5  }
0x129: {  	v6 =	vld [tilespmem:s20+$0x70];
	v2 =	vadd.f32 v3, v2  }
0x12a: {  	v7 =	vld [tilespmem:s20+$0x80];
	v9, _, _ =	vpop (xrf2);
	(xrf2) =	vadd.scan.msk.f32 $0xffff, v5;
	v5 =	vsub.f32 v8, v1  }
0x12b: {  	(v2sf) =	vpush v9, $0xF  }
0x12c: {  	v3 =	vsub.f32 v4, v0;
	v5 =	vmul.f32 v5, v5  }
0x12d: {  	v4 =	vld [tilespmem:s20+$0x90];
	(xrf2) =	vadd.scan.msk.f32 $0xffff, v2;
	v2, _, _ =	vpop (xrf2)  }
0x12e: {  	v3 =	vmul.f32 v3, v3;
	v6 =	vsub.f32 v6, v1;
	s21 =	spop (v2sf);
	(v2sf) =	vpush v2, $0xF  }
0x12f: {  	v8 =	vld [tilespmem:s20+$0xA0];
	v7 =	vsub.f32 v7, v0;
	v2 =	vsub.f32 v10, v0  }
0x130: {  	v9 =	vld [tilespmem:s20+$0xB0];
	p0 =	slt.f32 s21, s18;
	v3 =	vadd.f32 v5, v3;
	v5, _, _ =	vpop (xrf2)  }
0x131: {  	v6 =	vmul.f32 v6, v6;
	v2 =	vmul.f32 v2, v2;
	(v2sf) =	vpush v5, $0xF  }
0x132: {  	v11 =	vld [tilespmem:s20+$0xD0];
	s22 =	spop (v2sf);
	v4 =	vsub.f32 v4, v1;
	s18 =	smov.u32 @p0 s21;
	(xrf2) =	vadd.scan.msk.f32 $0xffff, v3  }
0x133: {  	v10 =	vld [tilespmem:s20+$0xC0];
	v5 =	vmul.f32 v7, v7;
	p1 =	slt.f32 s22, s18;
	v7, _, _ =	vpop (xrf2);
	v6 =	vadd.f32 v6, v2  }
0x134: {  	v4 =	vmul.f32 v4, v4;
	(v2sf) =	vpush v7, $0xF  }
0x135: {  	v8 =	vsub.f32 v8, v0;
	v9 =	vsub.f32 v9, v1;
	s21 =	simm.s32 $0xF4200;
	s23 =	spop (v2sf);
	v2 =	vld [tilespmem:s20+$0xE0];
	s18 =	smov.u32 @p1 s22;
	(xrf2) =	vadd.scan.msk.f32 $0xffff, v6  }
0x136: {  	s19 =	smov.u32 @p0 s21;
	s21 =	simm.s32 $0xF4201;
	v5 =	vadd.f32 v4, v5;
	v4 =	vld [tilespmem:s20+$0xF0];
	v3, _, _ =	vpop (xrf2);
	p0 =	slt.f32 s23, s18  }
0x137: {  	s24 =	simm.s32 $0xF4202;
	v7 =	vmul.f32 v8, v8;
	v8 =	vmul.f32 v9, v9;
	s19 =	smov.u32 @p1 s21;
	s22 =	simm.s32 $0x320;
	(v2sf) =	vpush v3, $0xF  }
0x138: {  	s21 =	simm.s32 $0xF420F;
	s25 =	spop (v2sf);
	v9 =	vsub.f32 v10, v0;
	v10 =	vsub.f32 v11, v1;
	v3 =	vld [tilespmem:s22+$0xFFFFFF00];
	v11, _, _ =	vpop (xrf2);
	(xrf2) =	vadd.scan.msk.f32 $0xffff, v5;
	s18 =	smov.u32 @p0 s23  }
0x139: {  	s20 =	simm.s32 $0xF421F;
	v6 =	vadd.f32 v8, v7;
	v5 =	vld [tilespmem:s22+$0xFFFFFF10];
	s19 =	smov.u32 @p0 s24;
	p2 =	slt.f32 s25, s18  }
0x13a: {  	v7 =	vmul.f32 v9, v9;
	v8 =	vmul.f32 v10, v10;
	s23 =	simm.s32 $0xF422F;
	s24 =	simm.s32 $0xF4203;
	(v2sf) =	vpush v11, $0xF;
	s26 =	spop (v2sf)  }
.LBB2_8:
0x13b: {  	p1 =	sne.s32 s23, $0xF423F;
	v9 =	vld [tilespmem:s22+$0xFFFFFF20];
	s19 =	smov.u32 @p2 s24;
	s18 =	smov.u32 @p2 s25;
	v2 =	vsub.f32 v2, v0;
	v4 =	vsub.f32 v4, v1;
	(xrf2) =	vadd.scan.msk.f32 $0xffff, v6  }
0x13c: {  	v6 =	vld [tilespmem:s22+$0xFFFFFF30];
	p0 =	slt.f32 s26, s18;
	v7 =	vadd.f32 v8, v7;
	v8, _, _ =	vpop (xrf2)  }
0x13d: {  	s24 =	sadd.s32 $0xFFFFFFF5, s21;
	v2 =	vmul.f32 v2, v2;
	v10 =	vmul.f32 v4, v4;
	s25 =	spop (v2sf);
	(v2sf) =	vpush v8, $0xF  }
0x13e: {  	v3 =	vsub.f32 v3, v0;
	v5 =	vsub.f32 v5, v1;
	v8 =	vld [tilespmem:s22+$0xFFFFFF40];
	s19 =	smov.u32 @p0 s24;
	s18 =	smov.u32 @p0 s26;
	(xrf2) =	vadd.scan.msk.f32 $0xffff, v7  }
0x13f: {  	v7 =	vld [tilespmem:s22+$0xFFFFFF50];
	p0 =	slt.f32 s25, s18;
	v2 =	vadd.f32 v10, v2;
	v4, _, _ =	vpop (xrf2)  }
0x140: {  	s24 =	sadd.s32 $0xFFFFFFF6, s21;
	v3 =	vmul.f32 v3, v3;
	v10 =	vmul.f32 v5, v5;
	s26 =	spop (v2sf);
	(v2sf) =	vpush v4, $0xF  }
0x141: {  	v4 =	vsub.f32 v9, v0;
	v6 =	vsub.f32 v6, v1;
	v9 =	vld [tilespmem:s22+$0xFFFFFF60];
	s19 =	smov.u32 @p0 s24;
	s18 =	smov.u32 @p0 s25;
	(xrf2) =	vadd.scan.msk.f32 $0xffff, v2  }
0x142: {  	v2 =	vadd.f32 v10, v3;
	v3 =	vld [tilespmem:s22+$0xFFFFFF70];
	p0 =	slt.f32 s26, s18;
	v5, _, _ =	vpop (xrf2)  }
0x143: {  	s24 =	sadd.s32 $0xFFFFFFF7, s21;
	v4 =	vmul.f32 v4, v4;
	v10 =	vmul.f32 v6, v6;
	s25 =	spop (v2sf);
	(v2sf) =	vpush v5, $0xF  }
0x144: {  	v5 =	vsub.f32 v8, v0;
	v7 =	vsub.f32 v7, v1;
	v8 =	vld [tilespmem:s22+$0xFFFFFF80];
	(xrf2) =	vadd.scan.msk.f32 $0xffff, v2;
	s19 =	smov.u32 @p0 s24;
	s18 =	smov.u32 @p0 s26  }
0x145: {  	v2 =	vadd.f32 v10, v4;
	v4 =	vld [tilespmem:s22+$0xFFFFFF90];
	p0 =	slt.f32 s25, s18;
	v6, _, _ =	vpop (xrf2)  }
0x146: {  	s24 =	sadd.s32 $0xFFFFFFF8, s21;
	v5 =	vmul.f32 v5, v5;
	v10 =	vmul.f32 v7, v7;
	s26 =	spop (v2sf);
	(v2sf) =	vpush v6, $0xF  }
0x147: {  	v6 =	vsub.f32 v9, v0;
	v3 =	vsub.f32 v3, v1;
	v9 =	vld [tilespmem:s22+$0xFFFFFFA0];
	(xrf2) =	vadd.scan.msk.f32 $0xffff, v2;
	s19 =	smov.u32 @p0 s24;
	s18 =	smov.u32 @p0 s25  }
0x148: {  	v2 =	vadd.f32 v10, v5;
	v5 =	vld [tilespmem:s22+$0xFFFFFFB0];
	p0 =	slt.f32 s26, s18;
	v7, _, _ =	vpop (xrf2)  }
0x149: {  	s24 =	sadd.s32 $0xFFFFFFF9, s21;
	v10 =	vmul.f32 v6, v6;
	v3 =	vmul.f32 v3, v3;
	s25 =	spop (v2sf);
	(v2sf) =	vpush v7, $0xF  }
0x14a: {  	v7 =	vsub.f32 v8, v0;
	v4 =	vsub.f32 v4, v1;
	v8 =	vld [tilespmem:s22+$0xFFFFFFC0];
	(xrf2) =	vadd.scan.msk.f32 $0xffff, v2;
	s19 =	smov.u32 @p0 s24;
	s18 =	smov.u32 @p0 s26  }
0x14b: {  	v2 =	vadd.f32 v3, v10;
	v3 =	vld [tilespmem:s22+$0xFFFFFFD0];
	p0 =	slt.f32 s25, s18;
	v6, _, _ =	vpop (xrf2)  }
0x14c: {  	s24 =	sadd.s32 $0xFFFFFFFA, s21;
	v10 =	vmul.f32 v7, v7;
	v4 =	vmul.f32 v4, v4;
	s26 =	spop (v2sf);
	(v2sf) =	vpush v6, $0xF  }
0x14d: {  	v6 =	vsub.f32 v9, v0;
	v5 =	vsub.f32 v5, v1;
	v9 =	vld [tilespmem:s22+$0xFFFFFFE0];
	(xrf2) =	vadd.scan.msk.f32 $0xffff, v2;
	s19 =	smov.u32 @p0 s24;
	s18 =	smov.u32 @p0 s25  }
0x14e: {  	v2 =	vadd.f32 v4, v10;
	v4 =	vld [tilespmem:s22+$0xFFFFFFF0];
	v7, _, _ =	vpop (xrf2);
	p0 =	slt.f32 s26, s18  }
0x14f: {  	s24 =	sadd.s32 $0xFFFFFFFB, s21;
	v10 =	vmul.f32 v6, v6;
	v5 =	vmul.f32 v5, v5;
	(v2sf) =	vpush v7, $0xF;
	s25 =	spop (v2sf)  }
0x150: {  	v7 =	vsub.f32 v8, v0;
	v3 =	vsub.f32 v3, v1;
	v8 =	vld [tilespmem:s22+$0x0];
	(xrf2) =	vadd.scan.msk.f32 $0xffff, v2;
	s19 =	smov.u32 @p0 s24;
	s18 =	smov.u32 @p0 s26  }
0x151: {  	v2 =	vadd.f32 v5, v10;
	v5 =	vld [tilespmem:s22+$0x10];
	v6, _, _ =	vpop (xrf2);
	p0 =	slt.f32 s25, s18  }
0x152: {  	s24 =	sadd.s32 $0xFFFFFFFC, s21;
	v10 =	vmul.f32 v7, v7;
	v3 =	vmul.f32 v3, v3;
	(v2sf) =	vpush v6, $0xF;
	s26 =	spop (v2sf)  }
0x153: {  	v6 =	vsub.f32 v9, v0;
	v4 =	vsub.f32 v4, v1;
	v9 =	vld [tilespmem:s22+$0x20];
	(xrf2) =	vadd.scan.msk.f32 $0xffff, v2;
	s19 =	smov.u32 @p0 s24;
	s18 =	smov.u32 @p0 s25  }
0x154: {  	v2 =	vadd.f32 v3, v10;
	v3 =	vld [tilespmem:s22+$0x30];
	v7, _, _ =	vpop (xrf2);
	p0 =	slt.f32 s26, s18  }
0x155: {  	s24 =	sadd.s32 $0xFFFFFFFD, s21;
	v10 =	vmul.f32 v6, v6;
	v4 =	vmul.f32 v4, v4;
	(v2sf) =	vpush v7, $0xF;
	s25 =	spop (v2sf)  }
0x156: {  	v7 =	vsub.f32 v8, v0;
	v5 =	vsub.f32 v5, v1;
	v8 =	vld [tilespmem:s22+$0x40];
	(xrf2) =	vadd.scan.msk.f32 $0xffff, v2;
	s19 =	smov.u32 @p0 s24;
	s18 =	smov.u32 @p0 s26  }
0x157: {  	v2 =	vadd.f32 v4, v10;
	v4 =	vld [tilespmem:s22+$0x50];
	v6, _, _ =	vpop (xrf2);
	p0 =	slt.f32 s25, s18  }
0x158: {  	s24 =	sadd.s32 $0xFFFFFFFE, s21;
	v10 =	vmul.f32 v7, v7;
	v5 =	vmul.f32 v5, v5;
	(v2sf) =	vpush v6, $0xF;
	s26 =	spop (v2sf)  }
0x159: {  	v6 =	vsub.f32 v9, v0;
	v3 =	vsub.f32 v3, v1;
	v9 =	vld [tilespmem:s22+$0x60];
	(xrf2) =	vadd.scan.msk.f32 $0xffff, v2;
	s19 =	smov.u32 @p0 s24;
	s18 =	smov.u32 @p0 s25  }
0x15a: {  	v2 =	vadd.f32 v5, v10;
	v5 =	vld [tilespmem:s22+$0x70];
	v7, _, _ =	vpop (xrf2);
	p0 =	slt.f32 s26, s18  }
0x15b: {  	s24 =	sadd.s32 $0xFFFFFFFF, s21;
	v10 =	vmul.f32 v6, v6;
	v3 =	vmul.f32 v3, v3;
	(v2sf) =	vpush v7, $0xF;
	s25 =	spop (v2sf)  }
0x15c: {  	v7 =	vsub.f32 v8, v0;
	v4 =	vsub.f32 v4, v1;
	v8 =	vld [tilespmem:s22+$0x80];
	(xrf2) =	vadd.scan.msk.f32 $0xffff, v2;
	s19 =	smov.u32 @p0 s24;
	s18 =	smov.u32 @p0 s26  }
0x15d: {  	v2 =	vadd.f32 v3, v10;
	v3 =	vld [tilespmem:s22+$0x90];
	v6, _, _ =	vpop (xrf2);
	p0 =	slt.f32 s25, s18  }
0x15e: {  	v10 =	vmul.f32 v7, v7;
	v4 =	vmul.f32 v4, v4;
	s24 =	spop (v2sf);
	(v2sf) =	vpush v6, $0xF  }
0x15f: {  	v6 =	vsub.f32 v9, v0;
	v5 =	vsub.f32 v5, v1;
	v9 =	vld [tilespmem:s22+$0xA0];
	(xrf2) =	vadd.scan.msk.f32 $0xffff, v2;
	s19 =	smov.u32 @p0 s21;
	s18 =	smov.u32 @p0 s25;
	s21 =	smov.u32 s20  }
0x160: {  	s20 =	smov.u32 s23;
	p0 =	slt.f32 s24, s18;
	v10 =	vadd.f32 v4, v10;
	v4 =	vld [tilespmem:s22+$0xB0];
	v7, _, _ =	vpop (xrf2)  }
0x161: {  	s25 =	sadd.s32 $0xFFFFFFF1, s21;
	v6 =	vmul.f32 v6, v6;
	v5 =	vmul.f32 v5, v5;
	s26 =	spop (v2sf);
	(v2sf) =	vpush v7, $0xF  }
0x162: {  	v7 =	vsub.f32 v8, v0;
	s19 =	smov.u32 @p0 s25;
	s18 =	smov.u32 @p0 s24;
	v3 =	vsub.f32 v3, v1;
	v8 =	vld [tilespmem:s22+$0xC0];
	(xrf2) =	vadd.scan.msk.f32 $0xffff, v10  }
0x163: {  	p0 =	slt.f32 s26, s18;
	v5 =	vadd.f32 v5, v6;
	v6 =	vld [tilespmem:s22+$0xD0];
	v2, _, _ =	vpop (xrf2)  }
0x164: {  	s24 =	sadd.s32 $0xFFFFFFF2, s21;
	v7 =	vmul.f32 v7, v7;
	v11 =	vmul.f32 v3, v3;
	s28 =	spop (v2sf);
	(v2sf) =	vpush v2, $0xF  }
0x165: {  	v9 =	vsub.f32 v9, v0;
	s19 =	smov.u32 @p0 s24;
	s18 =	smov.u32 @p0 s26;
	v10 =	vsub.f32 v4, v1;
	v2 =	vld [tilespmem:s22+$0xE0];
	(xrf2) =	vadd.scan.msk.f32 $0xffff, v5  }
.Ltmp5:
0x166: {  	p0 =	slt.f32 s28, s18;
	v5 =	vadd.f32 v11, v7;
	v4 =	vld [tilespmem:s22+$0xF0];
	v3, _, _ =	vpop (xrf2);
	(pc) =	sbr.rel @p1 .LBB2_8-.Ltmp5, $4  }
0x167: {  	s24 =	sadd.s32 $0xFFFFFFF3, s21;
	v7 =	vmul.f32 v9, v9;
	s22 =	sadd.s32 $0x200, s22;
	v11 =	vmul.f32 v10, v10;
	s25 =	spop (v2sf);
	(v2sf) =	vpush v3, $0xF  }
0x168: {  	v8 =	vsub.f32 v8, v0;
	v3 =	vld [tilespmem:s22+$0xFFFFFF00];
	s19 =	smov.u32 @p0 s24;
	s18 =	smov.u32 @p0 s28;
	v10 =	vsub.f32 v6, v1;
	(xrf2) =	vadd.scan.msk.f32 $0xffff, v5  }
0x169: {  	v5 =	vld [tilespmem:s22+$0xFFFFFF10];
	p2 =	slt.f32 s25, s18;
	v6 =	vadd.f32 v11, v7;
	v9, _, _ =	vpop (xrf2)  }
0x16a: {  	s23 =	sadd.s32 $0x10, s23;
	s24 =	sadd.s32 $0xFFFFFFF4, s21;
	v7 =	vmul.f32 v8, v8;
	v8 =	vmul.f32 v10, v10;
	s26 =	spop (v2sf);
	(v2sf) =	vpush v9, $0xF  }
0x16b: {  	s18 =	smov.u32 @p2 s25  }
0x16c: {  	p0 =	slt.f32 s26, s18;
	_ =	sdelay $0x1  }
0x16d: {  	s23 =	spop (v2sf);
	s18 =	smov.u32 @p0 s26  }
0x16e: {  	p6 =	slt.f32 s23, s18;
	_ =	sdelay $0x1  }
0x16f: {  	v34, _, _ =	vpop (xrf2);
	s25 =	spop (v2sf);
	s18 =	smov.u32 @p6 s23  }
0x170: {  	(v2sf) =	vpush v34, $0xF;
	p3 =	slt.f32 s25, s18;
	_ =	sdelay $0x1  }
0x171: {  	s23 =	spop (v2sf);
	s18 =	smov.u32 @p3 s25  }
0x172: {  	p4 =	slt.f32 s23, s18  }
0x173: {  	(xrf2) =	vadd.scan.msk.f32 $0xffff, v6;
	v37, _, _ =	vpop (xrf2)  }
0x174: {  	(v2sf) =	vpush v37, $0xF;
	s25 =	spop (v2sf);
	s18 =	smov.u32 @p4 s23  }
0x175: {  	p5 =	slt.f32 s25, s18  }
0x176: {  	v7 =	vadd.f32 v8, v7  }
0x177: {  	v2 =	vsub.f32 v2, v0;
	v4 =	vsub.f32 v4, v1;
	s23 =	simm.s32 @!p5 $0x0  }
0x178: {  	(xrf2) =	vadd.scan.msk.f32 $0xffff, v7;
	v42, _, _ =	vpop (xrf2);
	s23 =	simm.s32 @p5 $0x1  }
0x179: {  	v9 =	vld [tilespmem:s22+$0xFFFFFF20];
	v2 =	vmul.f32 v2, v2;
	v4 =	vmul.f32 v4, v4;
	(v2sf) =	vpush v42, $0xF;
	s18 =	smov.u32 @p5 s25;
	[smem:$0x7E6] =	sst s23;
	s23 =	spop (v2sf)  }
0x17a: {  	v33 =	vld [tilespmem:s22+$0xFFFFFF30];
	v3 =	vsub.f32 v3, v0;
	v5 =	vsub.f32 v5, v1;
	p5 =	slt.f32 s23, s18  }
0x17b: {  	v2 =	vadd.f32 v4, v2  }
0x17c: {  	v35 =	vld [tilespmem:s22+$0xFFFFFF40];
	v3 =	vmul.f32 v3, v3;
	v5 =	vmul.f32 v5, v5;
	s25 =	simm.s32 @!p5 $0x0  }
0x17d: {  	v36 =	vld [tilespmem:s22+$0xFFFFFF50];
	(xrf2) =	vadd.scan.msk.f32 $0xffff, v2;
	v47, _, _ =	vpop (xrf2);
	s25 =	simm.s32 @p5 $0x1  }
0x17e: {  	v40 =	vadd.f32 v5, v3;
	(v2sf) =	vpush v47, $0xF;
	s18 =	smov.u32 @p5 s23;
	[smem:$0x7E7] =	sst s25;
	s25 =	spop (v2sf)  }
0x17f: {  	v38 =	vsub.f32 v9, v0;
	v6 =	vsub.f32 v33, v1;
	p5 =	slt.f32 s25, s18  }
0x180: {  	v39 =	vld [tilespmem:s22+$0xFFFFFF60];
	(xrf2) =	vadd.scan.msk.f32 $0xffff, v40  }
0x181: {  	v41 =	vld [tilespmem:s22+$0xFFFFFF70];
	v4 =	vmul.f32 v38, v38;
	v6 =	vmul.f32 v6, v6;
	s23 =	simm.s32 @!p5 $0x0  }
0x182: {  	v43 =	vsub.f32 v35, v0;
	v7 =	vsub.f32 v36, v1;
	v52, _, _ =	vpop (xrf2);
	s23 =	simm.s32 @p5 $0x1  }
0x183: {  	v45 =	vadd.f32 v6, v4;
	(v2sf) =	vpush v52, $0xF;
	s18 =	smov.u32 @p5 s25;
	[smem:$0x7E8] =	sst s23;
	s23 =	spop (v2sf)  }
0x184: {  	p5 =	slt.f32 s23, s18  }
0x185: {  	v5 =	vmul.f32 v43, v43;
	v7 =	vmul.f32 v7, v7;
	(xrf2) =	vadd.scan.msk.f32 $0xffff, v45  }
0x186: {  	v44 =	vld [tilespmem:s22+$0xFFFFFF80];
	v48 =	vsub.f32 v39, v0;
	v3 =	vsub.f32 v41, v1;
	s25 =	simm.s32 @!p5 $0x0  }
0x187: {  	v46 =	vld [tilespmem:s22+$0xFFFFFF90];
	v50 =	vadd.f32 v7, v5;
	v57, _, _ =	vpop (xrf2);
	s25 =	simm.s32 @p5 $0x1  }
0x188: {  	v49 =	vld [tilespmem:s22+$0xFFFFFFA0];
	v6 =	vmul.f32 v48, v48;
	v3 =	vmul.f32 v3, v3;
	(v2sf) =	vpush v57, $0xF;
	s18 =	smov.u32 @p5 s23;
	[smem:$0x7E9] =	sst s25;
	s25 =	spop (v2sf)  }
0x189: {  	v51 =	vld [tilespmem:s22+$0xFFFFFFB0];
	p5 =	slt.f32 s25, s18  }
0x18a: {  	v55 =	vadd.f32 v3, v6;
	(xrf2) =	vadd.scan.msk.f32 $0xffff, v50;
	v62, _, _ =	vpop (xrf2)  }
0x18b: {  	(v2sf) =	vpush v62, $0xF;
	s23 =	simm.s32 @!p5 $0x0  }
0x18c: {  	v54 =	vld [tilespmem:s22+$0xFFFFFFC0];
	v53 =	vsub.f32 v44, v0;
	v4 =	vsub.f32 v46, v1;
	(xrf2) =	vadd.scan.msk.f32 $0xffff, v55;
	s23 =	simm.s32 @p5 $0x1  }
0x18d: {  	v56 =	vld [tilespmem:s22+$0xFFFFFFD0];
	v58 =	vsub.f32 v49, v0;
	s18 =	smov.u32 @p5 s25;
	[smem:$0x7EA] =	sst s23;
	s23 =	spop (v2sf)  }
0x18e: {  	v7 =	vmul.f32 v53, v53;
	v5 =	vsub.f32 v51, v1;
	v4 =	vmul.f32 v4, v4;
	p5 =	slt.f32 s23, s18  }
0x18f: {  	v59 =	vld [tilespmem:s22+$0xFFFFFFE0];
	v6 =	vmul.f32 v58, v58;
	v15, _, _ =	vpop (xrf2)  }
0x190: {  	v61 =	vld [tilespmem:s22+$0xFFFFFFF0];
	v5 =	vmul.f32 v5, v5;
	v60 =	vadd.f32 v4, v7;
	(v2sf) =	vpush v15, $0xF;
	s25 =	simm.s32 @!p5 $0x0  }
0x191: {  	v63 =	vsub.f32 v54, v0;
	s25 =	simm.s32 @p5 $0x1  }
0x192: {  	v12 =	vld [tilespmem:s22+$0x0];
	v3 =	vsub.f32 v56, v1;
	v13 =	vadd.f32 v5, v6;
	(xrf2) =	vadd.scan.msk.f32 $0xffff, v60;
	s18 =	smov.u32 @p5 s23;
	[smem:$0x7EB] =	sst s25;
	s25 =	spop (v2sf)  }
0x193: {  	v14 =	vld [tilespmem:s22+$0x10];
	p1 =	slt.f32 s25, s18  }
0x194: {  	v16 =	vsub.f32 v59, v0;
	v7 =	vmul.f32 v63, v63;
	v3 =	vmul.f32 v3, v3;
	(xrf2) =	vadd.scan.msk.f32 $0xffff, v13;
	v20, _, _ =	vpop (xrf2)  }
0x195: {  	v17 =	vld [tilespmem:s22+$0x20];
	v4 =	vsub.f32 v61, v1;
	(v2sf) =	vpush v20, $0xF;
	s23 =	simm.s32 @!p1 $0x0  }
0x196: {  	v19 =	vld [tilespmem:s22+$0x30];
	v18 =	vadd.f32 v3, v7;
	v25, _, _ =	vpop (xrf2);
	s23 =	simm.s32 @p1 $0x1  }
0x197: {  	v22 =	vld [tilespmem:s22+$0x40];
	v6 =	vmul.f32 v16, v16;
	v4 =	vmul.f32 v4, v4;
	(v2sf) =	vpush v25, $0xF;
	s18 =	smov.u32 @p1 s25;
	[smem:$0x7EC] =	sst s23;
	s23 =	spop (v2sf)  }
0x198: {  	v24 =	vld [tilespmem:s22+$0x50];
	v21 =	vsub.f32 v12, v0;
	v5 =	vsub.f32 v14, v1;
	(xrf2) =	vadd.scan.msk.f32 $0xffff, v18;
	p1 =	slt.f32 s23, s18  }
0x199: {  	v27 =	vld [tilespmem:s22+$0x60];
	v23 =	vadd.f32 v4, v6  }
0x19a: {  	v29 =	vld [tilespmem:s22+$0x70];
	v7 =	vmul.f32 v21, v21;
	v5 =	vmul.f32 v5, v5;
	s25 =	spop (v2sf);
	s18 =	smov.u32 @p1 s23  }
0x19b: {  	v32 =	vld [tilespmem:s22+$0x80];
	v26 =	vsub.f32 v17, v0;
	v3 =	vsub.f32 v19, v1;
	(xrf2) =	vadd.scan.msk.f32 $0xffff, v23;
	p5 =	slt.f32 s25, s18  }
0x19c: {  	v34 =	vld [tilespmem:s22+$0x90];
	v28 =	vadd.f32 v5, v7;
	v30, _, _ =	vpop (xrf2)  }
0x19d: {  	v37 =	vld [tilespmem:s22+$0xA0];
	v6 =	vmul.f32 v26, v26;
	v3 =	vmul.f32 v3, v3;
	(v2sf) =	vpush v30, $0xF;
	s23 =	simm.s32 @!p5 $0x0  }
0x19e: {  	v31 =	vsub.f32 v22, v0;
	v39 =	vld [tilespmem:s22+$0xB0];
	v4 =	vsub.f32 v24, v1;
	(xrf2) =	vadd.scan.msk.f32 $0xffff, v28;
	v35, _, _ =	vpop (xrf2);
	s23 =	simm.s32 @p5 $0x1  }
0x19f: {  	v44 =	vld [tilespmem:s22+$0xD0];
	v33 =	vadd.f32 v3, v6;
	(v2sf) =	vpush v35, $0xF;
	s18 =	smov.u32 @p5 s25;
	[smem:$0x7ED] =	sst s23;
	s23 =	spop (v2sf)  }
0x1a0: {  	v49 =	vld [tilespmem:s22+$0xF0];
	v7 =	vmul.f32 v31, v31;
	s26 =	sld [smem:$0x7E6];
	v4 =	vmul.f32 v4, v4;
	p5 =	slt.f32 s23, s18  }
0x1a1: {  	s19 =	smov.u32 @p2 s24;
	v36 =	vsub.f32 v27, v0;
	v42 =	vld [tilespmem:s22+$0xC0];
	v5 =	vsub.f32 v29, v1;
	s28 =	sld [smem:$0x7E7];
	(xrf2) =	vadd.scan.msk.f32 $0xffff, v33  }
0x1a2: {  	v47 =	vld [tilespmem:s22+$0xE0];
	s22 =	sadd.s32 $0xFFFFFFF6, s21;
	v38 =	vadd.f32 v4, v7;
	s29 =	sld [smem:$0x7E8];
	v40, _, _ =	vpop (xrf2);
	s25 =	simm.s32 @!p5 $0x0  }
0x1a3: {  	v6 =	vmul.f32 v36, v36;
	v5 =	vmul.f32 v5, v5;
	s30 =	sld [smem:$0x7E9];
	(v2sf) =	vpush v40, $0xF;
	s18 =	smov.u32 @p5 s23;
	s25 =	simm.s32 @p5 $0x1  }
0x1a4: {  	v41 =	vsub.f32 v32, v0;
	v3 =	vsub.f32 v34, v1;
	(xrf2) =	vadd.scan.msk.f32 $0xffff, v38;
	s23 =	sadd.s32 $0xFFFFFFF5, s21;
	[smem:$0x7EE] =	sst s25;
	s25 =	spop (v2sf)  }
0x1a5: {  	v43 =	vadd.f32 v5, v6;
	v45, _, _ =	vpop (xrf2);
	s31 =	sld [smem:$0x7EA];
	s19 =	smov.u32 @p0 s23;
	p2 =	slt.f32 s25, s18  }
0x1a6: {  	v7 =	vmul.f32 v41, v41;
	v3 =	vmul.f32 v3, v3;
	(v2sf) =	vpush v45, $0xF;
	s19 =	smov.u32 @p6 s22;
	s22 =	sadd.s32 $0xFFFFFFF7, s21;
	s23 =	spop (v2sf)  }
0x1a7: {  	v46 =	vsub.f32 v37, v0;
	v4 =	vsub.f32 v39, v1;
	(xrf2) =	vadd.scan.msk.f32 $0xffff, v43;
	s19 =	smov.u32 @p3 s22;
	s22 =	sadd.s32 $0xFFFFFFF8, s21;
	s18 =	smov.u32 @p2 s25  }
0x1a8: {  	v48 =	vadd.f32 v3, v7;
	v50, _, _ =	vpop (xrf2);
	s19 =	smov.u32 @p4 s22;
	s24 =	simm.s32 @!p2 $0x0;
	p0 =	slt.f32 s23, s18  }
0x1a9: {  	v6 =	vmul.f32 v46, v46;
	v4 =	vmul.f32 v4, v4;
	(v2sf) =	vpush v50, $0xF;
	s22 =	sadd.s32 $0xFFFFFFF9, s21;
	s25 =	sld [smem:$0x7EB];
	s24 =	simm.s32 @p2 $0x1  }
0x1aa: {  	v51 =	vsub.f32 v42, v0;
	v5 =	vsub.f32 v44, v1;
	(xrf2) =	vadd.scan.msk.f32 $0xffff, v48;
	[smem:$0x7EF] =	sst s24;
	s24 =	simm.s32 @!p0 $0x0;
	s18 =	smov.u32 @p0 s23  }
0x1ab: {  	v52 =	vadd.f32 v4, v6;
	v53, _, _ =	vpop (xrf2);
	s24 =	simm.s32 @p0 $0x1;
	p0 =	seq.s32 s26, $0x1;
	s26 =	sld [smem:$0x7EC]  }
0x1ac: {  	v54 =	vmul.f32 v51, v51;
	v5 =	vmul.f32 v5, v5;
	[smem:$0x7F0] =	sst s24;
	s24 =	spop (v2sf);
	(v2sf) =	vpush v53, $0xF;
	s19 =	smov.u32 @p0 s22  }
0x1ad: {  	v56 =	vsub.f32 v49, v1;
	v55 =	vsub.f32 v47, v0;
	(xrf2) =	vadd.scan.msk.f32 $0xffff, v52;
	s22 =	sadd.s32 $0xFFFFFFFA, s21;
	p0 =	seq.s32 s28, $0x1;
	p5 =	slt.f32 s24, s18  }
0x1ae: {  	v57 =	vadd.f32 v5, v54;
	v58, _, _ =	vpop (xrf2);
	s28 =	sld [smem:$0x7ED];
	s23 =	spop (v2sf);
	s19 =	smov.u32 @p0 s22  }
0x1af: {  	v0 =	vmul.f32 v55, v55;
	v1 =	vmul.f32 v56, v56;
	(v2sf) =	vpush v58, $0xF;
	s22 =	sadd.s32 $0xFFFFFFFB, s21;
	p0 =	seq.s32 s29, $0x1;
	s18 =	smov.u32 @p5 s24  }
0x1b0: {  	(xrf2) =	vadd.scan.msk.f32 $0xffff, v57;
	s29 =	sld [smem:$0x7EE];
	s19 =	smov.u32 @p0 s22;
	p4 =	slt.f32 s23, s18  }
0x1b1: {  	v0 =	vadd.f32 v1, v0;
	v59, _, _ =	vpop (xrf2);
	s22 =	sadd.s32 $0xFFFFFFFC, s21;
	p0 =	seq.s32 s30, $0x1;
	s30 =	sld [smem:$0x7EF]  }
0x1b2: {  	s24 =	spop (v2sf);
	(v2sf) =	vpush v59, $0xF;
	s19 =	smov.u32 @p0 s22;
	s18 =	smov.u32 @p4 s23  }
0x1b3: {  	(xrf2) =	vadd.scan.msk.f32 $0xffff, v0;
	s22 =	sadd.s32 $0xFFFFFFFD, s21;
	p0 =	seq.s32 s31, $0x1;
	p3 =	slt.f32 s24, s18  }
0x1b4: {  	v60, _, _ =	vpop (xrf2);
	s19 =	smov.u32 @p0 s22;
	s22 =	sadd.s32 $0xFFFFFFFE, s21;
	p0 =	seq.s32 s25, $0x1  }
0x1b5: {  	s19 =	smov.u32 @p0 s22;
	s23 =	spop (v2sf);
	(v2sf) =	vpush v60, $0xF;
	s18 =	smov.u32 @p3 s24  }
0x1b6: {  	s22 =	sadd.s32 $0xFFFFFFFF, s21;
	p0 =	seq.s32 s26, $0x1;
	p2 =	slt.f32 s23, s18  }
0x1b7: {  	v61, _, _ =	vpop (xrf2);
	s31 =	sld [smem:$0x7F0];
	s19 =	smov.u32 @p0 s22  }
0x1b8: {  	p0 =	seq.s32 s28, $0x1;
	s22 =	spop (v2sf);
	(v2sf) =	vpush v61, $0xF;
	s18 =	smov.u32 @p2 s23  }
0x1b9: {  	s19 =	smov.u32 @p1 s21;
	s21 =	sadd.s32 $0xFFFFFFF1, s20;
	p1 =	slt.f32 s22, s18  }
0x1ba: {  	v62, _, _ =	vpop (xrf2);
	p6 =	seq.s32 s30, $0x1;
	s19 =	smov.u32 @p0 s21;
	s21 =	sadd.s32 $0xFFFFFFF2, s20  }
0x1bb: {  	p0 =	seq.s32 s29, $0x1;
	s23 =	spop (v2sf);
	(v2sf) =	vpush v62, $0xF;
	s18 =	smov.u32 @p1 s22  }
0x1bc: {  	s19 =	smov.u32 @p0 s21;
	s21 =	sadd.s32 $0xFFFFFFF3, s20;
	p0 =	slt.f32 s23, s18  }
0x1bd: {  	v63, _, _ =	vpop (xrf2);
	s19 =	smov.u32 @p6 s21;
	s21 =	sadd.s32 $0xFFFFFFF4, s20  }
0x1be: {  	p6 =	seq.s32 s31, $0x1;
	s22 =	spop (v2sf);
	(v2sf) =	vpush v63, $0xF;
	s18 =	smov.u32 @p0 s23  }
0x1bf: {  	s19 =	smov.u32 @p6 s21;
	s21 =	sadd.s32 $0xFFFFFFF5, s20;
	p6 =	slt.f32 s22, s18  }
0x1c0: {  	s19 =	smov.u32 @p5 s21  }
0x1c1: {  	s21 =	sadd.s32 $0xFFFFFFF6, s20;
	s23 =	spop (v2sf);
	s18 =	smov.u32 @p6 s22  }
0x1c2: {  	s19 =	smov.u32 @p4 s21;
	s21 =	sadd.s32 $0xFFFFFFF7, s20;
	p4 =	slt.f32 s23, s18  }
0x1c3: {  	s19 =	smov.u32 @p3 s21  }
0x1c4: {  	s21 =	sadd.s32 $0xFFFFFFF8, s20;
	s22 =	spop (v2sf);
	s18 =	smov.u32 @p4 s23  }
0x1c5: {  	s19 =	smov.u32 @p2 s21;
	s21 =	sadd.s32 $0xFFFFFFF9, s20;
	p2 =	slt.f32 s22, s18  }
0x1c6: {  	s19 =	smov.u32 @p1 s21  }
0x1c7: {  	s21 =	sadd.s32 $0xFFFFFFFA, s20;
	s23 =	spop (v2sf);
	s18 =	smov.u32 @p2 s22  }
0x1c8: {  	s19 =	smov.u32 @p0 s21;
	s21 =	sadd.s32 $0xFFFFFFFB, s20;
	p0 =	slt.f32 s23, s18  }
0x1c9: {  	s19 =	smov.u32 @p6 s21  }
0x1ca: {  	s21 =	sadd.s32 $0xFFFFFFFC, s20;
	s22 =	spop (v2sf);
	s18 =	smov.u32 @p0 s23  }
0x1cb: {  	s19 =	smov.u32 @p4 s21;
	s21 =	sadd.s32 $0xFFFFFFFD, s20;
	p1 =	slt.f32 s22, s18  }
.Ltmp6:
0x1cc: {  	s19 =	smov.u32 @p2 s21;
	(pc) =	sbr.rel .LBB2_10-.Ltmp6, $4  }
0x1cd: {  	s21 =	sadd.s32 $0xFFFFFFFE, s20;
	s23 =	spop (v2sf);
	s18 =	smov.u32 @p1 s22  }
0x1ce: {  	s19 =	smov.u32 @p0 s21;
	s21 =	sadd.s32 $0xFFFFFFFF, s20;
	p0 =	slt.f32 s23, s18  }
0x1cf: {  	s19 =	smov.u32 @p1 s21  }
0x1d0: {  	s19 =	smov.u32 @p0 s20;
	s18 =	smov.u32 @p0 s23  }
.LBB2_11:
0x1d1: {  	_ =	sfence.sel $0x180000  }
0x1d2: {  	[bflag:$0x0] =	sbarrier.arrive $0xFFFF  }
0x1d3: {  	p0 =	sne.s32 s2, $0x0;
	_ =	strace $0x90000047  }
0x1d4: {  	s0 =	sadd.s32 @!p0 $0x100000, s0;
	[bflag:$0x2] =	sbarrier.arrive $0xFFFF  }
0x1d5: {  	[sflag:s0] =	ssyncadd.tile.s32 @!p0 $0x1;
	_ =	shalt  }
.Lfunc_end2:
_tile_overlayer_lowered:
.L_overlay_start_2:
0x1d6: {  	(tag) =	ssettag $0x2  }
0x1d7: {  	s0 =	rddreg [dreg:$0x0];
	s2 =	stileid.u32  }
0x1d8: {  	s1 =	rddreg [dreg:$0x1];
	p0 =	sne.s32 s2, $0x0  }
0x1d9: {  	s3 =	rddreg [dreg:$0x2];
	[bflag:$0x3] =	sbarrier.arrive $0xFFFF;
	s2 =	simm.s32 @!p0 $0x1C04  }
0x1da: {  	[timem:s3], [sflag:s2] =	dma.local @!p0 [hbm:s0], s1  }
0x1db: {  	s0 =	simm.s32 @!p0 $0x4  }
0x1dc: {  	_ =	swait.ge @!p0 [sflag:s0], s1  }
0x1dd: {  	s1 =	ssub.s32 @!p0 $0x0, s1;
	[sflag:s0] =	ssyncset.done @!p0 $0x0  }
0x1de: {  	[sflag:s0] =	ssyncadd.s32 @!p0 s1  }
0x1df: {  	[bflag:$0x3] =	sbarrier.arrive $0xFFFF  }
0x1e0: {  	_ =	shalt  }

</sc_bundles>
